<compile_context>
chip_gen: v7x
topology: tpu7x:2x2x1
jax: 0.10.2.dev20260603
libtpu: 0.0.44.dev20260713+nightly
codegen_flags: <defaults>
</compile_context>

<pallas_src>
import functools

import jax
import jax.numpy as jnp
from jax import lax
from jax.experimental import pallas as pl
from jax.experimental.pallas import tpu as pltpu
from jax.experimental.pallas import tpu_sc as plsc

N_REF = 4096
N_SRC = 4096
R = 512
S = 512
D = 128
C = 2048

NC = 2
NS = 16
NW = NC * NS
RPW = R // NW

_TS = 8
_TL = 128
_NT = N_SRC // _TL

_mesh = plsc.VectorSubcoreMesh(
    core_axis_name="c", subcore_axis_name="s", num_cores=NC, num_subcores=NS)


@functools.partial(
    pl.kernel,
    out_type=[
        jax.ShapeDtypeStruct((R * S // _TL, _TL), jnp.float32),
        jax.ShapeDtypeStruct((R * S // _TL, _TL), jnp.float32),
        jax.ShapeDtypeStruct((R * S // _TL, _TL), jnp.float32),
    ],
    mesh=_mesh,
    compiler_params=pltpu.CompilerParams(
        use_tc_tiling_on_sc=False, needs_layout_passes=False),
    scratch_types=[
        pltpu.VMEM((RPW * S // _TL, _TL), jnp.float32),
        pltpu.VMEM((RPW * S // _TL, _TL), jnp.float32),
        pltpu.VMEM((C // _TL, 2, _TL), jnp.int32),
        pltpu.VMEM((C // _TL, 2, _TL), jnp.int32),
        pltpu.VMEM((4 * _NT, _TL), jnp.float32),
        pltpu.VMEM((RPW * S // _TL, _TL), jnp.float32),
        pltpu.VMEM((S,), jnp.int32),
        pltpu.VMEM((RPW,), jnp.int32),
        pltpu.VMEM((RPW,), jnp.int32),
        pltpu.VMEM((4, 128), jnp.int32),
        pltpu.SemaphoreType.DMA,
    ],
)
def _sc_sample(gt2_hbm, ref_idx_hbm, src_idx_hbm, gt_pairs_hbm,
               init_pairs_hbm,
               corr_out, icorr_out, score_out,
               corr_v, icorr_v, pairs_v, ipairs_v, chunks_v, score_v,
               sidx_all, ridx16_v, base16_v, cidx_v, sem):
    cid = lax.axis_index("c")
    sid = lax.axis_index("s")
    wid = sid * NC + cid
    base = wid * RPW
    iota = lax.iota(jnp.int32, 16)
    ones = jnp.full((16,), 1.0, jnp.float32)
    negones = jnp.full((16,), -1.0, jnp.float32)

    pltpu.sync_copy(gt_pairs_hbm, pairs_v)
    pltpu.sync_copy(init_pairs_hbm, ipairs_v)
    pltpu.sync_copy(src_idx_hbm, sidx_all)
    pltpu.sync_copy(ref_idx_hbm.at[pl.ds(base, RPW)], ridx16_v)

    ridx16 = ridx16_v[...]
    base16 = (ridx16 // _TS) * (_NT * _TS) + ridx16 % _TS
    base16_v[...] = base16

    def _cid_blk(i, _):
        t = i * 16 + iota
        rvals = plsc.load_gather(base16_v, [t // _NT])
        cid = rvals + _TS * (t % _NT)
        plsc.store_scatter(cidx_v, [t // 128, t % 128], cid)
        return _

    lax.fori_loop(0, RPW * _NT // 16, _cid_blk, 0)

    for g in range(4):
        pltpu.async_copy(gt2_hbm.at[cidx_v.at[g]], chunks_v, sem).wait()

        def _score_blk(i, _, g=g):
            rl = i // (S // 16)
            cb = i % (S // 16)
            r = g * 4 + rl
            cols = sidx_all[pl.ds(cb * 16, 16)]
            vals = plsc.load_gather(
                chunks_v, [rl * _NT + cols // _TL, cols % _TL])
            lc = (r // _TS) * (_TS * S // _TL) + (cb // _TS) * _TS + r % _TS
            plsc.store_scatter(
                score_v,
                [jnp.full((16,), lc, jnp.int32), (cb % _TS) * 16 + iota],
                vals)
            return _

        lax.fori_loop(0, 4 * (S // 16), _score_blk, 0)

    pltpu.sync_copy(
        score_v, score_out.at[pl.ds(wid * (RPW * S // _TL), RPW * S // _TL)])

    NCH = RPW * S // _TL

    def _fill(i, _):
        rvec = jnp.full((16,), i // _TS, jnp.int32)
        pos = (i % _TS) * 16 + iota
        plsc.store_scatter(corr_v, [rvec, pos], negones)
        plsc.store_scatter(icorr_v, [rvec, pos], negones)
        return _

    lax.fori_loop(0, NCH * _TS, _fill, 0)

    def _scatter_pairs(dst_ref, src_pairs):
        def _blk(k, _):
            tb = k // _TS
            sb = k % _TS
            rows = src_pairs[tb, 0, pl.ds(sb * 16, 16)]
            cols = src_pairs[tb, 1, pl.ds(sb * 16, 16)]
            rloc = rows - base
            m = (rloc >= 0) & (rloc < RPW)
            rsafe = jnp.where(m, rloc, 0)
            csafe = jnp.where(m, cols, 0)
            lcvec = ((rsafe // _TS) * (_TS * S // _TL)
                     + (csafe // _TL) * _TS + rsafe % _TS)
            plsc.store_scatter(dst_ref, [lcvec, csafe % _TL], ones, mask=m)
            return _

        lax.fori_loop(0, C // 16, _blk, 0)

    _scatter_pairs(corr_v, pairs_v)
    _scatter_pairs(icorr_v, ipairs_v)
    pltpu.sync_copy(corr_v, corr_out.at[pl.ds(wid * NCH, NCH)])
    pltpu.sync_copy(icorr_v, icorr_out.at[pl.ds(wid * NCH, NCH)])


_BR = 8


def _dense_body(ridx_ref, sidx_ref, src_idx_ref, src_feats_ref,
                ref_pts_ref, src_pts_ref, *rest):
    ref_rows = rest[:_BR]
    feat_out, rpts_out, spts_out, onehot_v, sfs_v = rest[_BR:]
    i = pl.program_id(0)

    @pl.when(i == 0)
    def _():
        sidx = src_idx_ref[...]
        vids = lax.broadcasted_iota(jnp.int32, (N_SRC, S), 0)
        onehot_v[...] = (vids == sidx).astype(jnp.float32)
        sfs_v[...] = lax.dot_general(
            onehot_v[...], src_feats_ref[...],
            dimension_numbers=(((0,), (0,)), ((), ())),
            preferred_element_type=jnp.float32)

    rfs = jnp.concatenate([r[...][0] for r in ref_rows], axis=0)
    feat_out[:, :, 0:D] = jnp.broadcast_to(rfs[:, None, :], (_BR, S, D))
    feat_out[:, :, D:2 * D] = jnp.broadcast_to(sfs_v[...][None], (_BR, S, D))

    rpts_out[...] = jnp.concatenate(
        [ref_pts_ref[pl.ds(ridx_ref[i * _BR + k], 1), :] for k in range(_BR)],
        axis=0)
    spts_out[...] = jnp.concatenate(
        [src_pts_ref[pl.ds(sidx_ref[i * _BR + k], 1), :] for k in range(_BR)],
        axis=0)


def _row_spec(k):
    return pl.BlockSpec(
        (1, 1, D), lambda i, ridx, sidx, k=k: (ridx[i * _BR + k], 0, 0))


_dense_call = pl.pallas_call(
    _dense_body,
    grid_spec=pltpu.PrefetchScalarGridSpec(
        num_scalar_prefetch=2,
        grid=(R // _BR,),
        in_specs=[
            pl.BlockSpec((1, S), lambda i, ridx, sidx: (0, 0)),
            pl.BlockSpec((N_SRC, D), lambda i, ridx, sidx: (0, 0)),
            pl.BlockSpec((N_REF, 3), lambda i, ridx, sidx: (0, 0)),
            pl.BlockSpec((N_SRC, 3), lambda i, ridx, sidx: (0, 0)),
        ] + [_row_spec(k) for k in range(_BR)],
        out_specs=[
            pl.BlockSpec((_BR, S, 2 * D), lambda i, ridx, sidx: (i, 0, 0)),
            pl.BlockSpec((_BR, 3), lambda i, ridx, sidx: (i, 0)),
            pl.BlockSpec((_BR, 3), lambda i, ridx, sidx: (i, 0)),
        ],
        scratch_shapes=[
            pltpu.VMEM((N_SRC, S), jnp.float32),
            pltpu.VMEM((S, D), jnp.float32),
        ],
    ),
    out_shape=[
        jax.ShapeDtypeStruct((R, S, 2 * D), jnp.float32),
        jax.ShapeDtypeStruct((R, 3), jnp.float32),
        jax.ShapeDtypeStruct((S, 3), jnp.float32),
    ],
)


def kernel(ref_points, src_points, ref_feats, src_feats, gt_score,
           ref_sample_indices, src_sample_indices, gt_corr_sampled,
           init_corr_sampled):
    gt2 = gt_score.reshape(
        N_REF // _TS, _TS, _NT, _TL).transpose(0, 2, 1, 3).reshape(-1, _TL)
    def _pairs_view(p):
        return p.transpose(1, 0).reshape(2, C // _TL, _TL).transpose(1, 0, 2)

    corr, icorr, score_s = _sc_sample(
        gt2, ref_sample_indices, src_sample_indices,
        _pairs_view(gt_corr_sampled), _pairs_view(init_corr_sampled))

    def _untile(m):
        return m.reshape(R // _TS, S // _TL, _TS, _TL).transpose(
            0, 2, 1, 3).reshape(R, S)

    corr = _untile(corr)
    icorr = _untile(icorr)
    score_s = _untile(score_s)
    feat, rpts, spts = _dense_call(
        ref_sample_indices, src_sample_indices,
        src_sample_indices.reshape(1, S), src_feats, ref_points, src_points,
        *([ref_feats.reshape(N_REF, 1, D)] * _BR))
    return (rpts, spts, corr, icorr, score_s, feat)

# --- scband reference (transcript-rebuilt; emitter-appended) ---
"""Pipeline reference for scband-cordi-11974368822035 (READ-ONLY COPY).

The authoritative reference and input builder live on the scoring server;
editing this copy changes nothing except your own understanding.
"""

import jax, jax.numpy as jnp
import numpy as np

N_REF, N_SRC, R, S, D, C = 4096, 4096, 512, 512, 128, 2048


def setup_inputs(seed: int = 0) -> dict:
    key = jax.random.key(seed)
    ks = jax.random.split(key, 9)
    ref_points = jax.random.normal(ks[0], (N_REF, 3), dtype=jnp.float32)
    src_points = jax.random.normal(ks[1], (N_SRC, 3), dtype=jnp.float32)
    ref_feats = jax.random.normal(ks[2], (N_REF, D), dtype=jnp.float32)
    src_feats = jax.random.normal(ks[3], (N_SRC, D), dtype=jnp.float32)
    gt_score = jax.random.uniform(ks[4], (N_REF, N_SRC), dtype=jnp.float32)
    ref_sample_indices = jax.random.randint(ks[5], (R,), 0, N_REF, dtype=jnp.int64) if jax.config.jax_enable_x64 else jax.random.randint(ks[5], (R,), 0, N_REF).astype(jnp.int32)
    src_sample_indices = jax.random.randint(ks[6], (S,), 0, N_SRC).astype(jnp.int32)
    ref_sample_indices = jax.random.randint(ks[5], (R,), 0, N_REF).astype(jnp.int32)
    gt_corr_sampled = jax.random.randint(ks[7], (C, 2), 0, R).astype(jnp.int32)
    init_corr_sampled = jax.random.randint(ks[8], (C, 2), 0, R).astype(jnp.int32)
    return {
        'ref_points': ref_points,
        'src_points': src_points,
        'ref_feats': ref_feats,
        'src_feats': src_feats,
        'gt_score': gt_score,
        'ref_sample_indices': ref_sample_indices,
        'src_sample_indices': src_sample_indices,
        'gt_corr_sampled': gt_corr_sampled,
        'init_corr_sampled': init_corr_sampled,
    }


def reference(ref_points, src_points, ref_feats, src_feats, gt_score,
              ref_sample_indices, src_sample_indices, gt_corr_sampled, init_corr_sampled):
    # Gather sampled points / features (ref_points[ref_sample_indices] etc.)
    ref_points_s = jnp.take(ref_points, ref_sample_indices, axis=0)
    src_points_s = jnp.take(src_points, src_sample_indices, axis=0)
    ref_feats_s = jnp.take(ref_feats, ref_sample_indices, axis=0)
    src_feats_s = jnp.take(src_feats, src_sample_indices, axis=0)

    r = ref_points_s.shape[0]
    s = src_points_s.shape[0]

    # corr_matrix = full(-1); corr_matrix[pair[0], pair[1]] = 1.0  (scatter-overwrite)
    corr_matrix = jnp.full((r, s), -1.0, dtype=jnp.float32)
    corr_matrix = corr_matrix.at[gt_corr_sampled[:, 0], gt_corr_sampled[:, 1]].set(1.0)

    init_corr_matrix = jnp.full((r, s), -1.0, dtype=jnp.float32)
    init_corr_matrix = init_corr_matrix.at[init_corr_sampled[:, 0], init_corr_sampled[:, 1]].set(1.0)

    # gt_corr_score_matrix_sampled[i, j] = gt_score[ref_sample_indices[i], src_sample_indices[j]] (2D gather)
    score_s = gt_score[ref_sample_indices[:, None], src_sample_indices[None, :]]

    # feat_matrix = cat([ref.unsqueeze(1).repeat, src.unsqueeze(0).repeat], dim=-1)
    feat_matrix = jnp.concatenate([
        jnp.broadcast_to(ref_feats_s[:, None, :], (r, s, ref_feats_s.shape[1])),
        jnp.broadcast_to(src_feats_s[None, :, :], (r, s, src_feats_s.shape[1])),
    ], axis=-1)

    return (ref_points_s, src_points_s, corr_matrix, init_corr_matrix, score_s, feat_matrix)

if __name__ == "__main__":
    import jax
    _d = setup_inputs()
    print(jax.jit(kernel)(*tuple(_d.values())))

</pallas_src>

<mosaic_0001>
#map = affine_map<(d0, d1) -> (0, 0)>
#map1 = affine_map<(d0, d1) -> (0)>
#map2 = affine_map<(d0, d1) -> (0, 0, 0)>
module attributes {stable_mosaic.version = 14 : i64} {
  func.func @_sc_sample(%arg0: i32, %arg1: i32, %arg2: memref<131072x128xf32, #tpu.memory_space<hbm>>, %arg3: memref<512xi32, #tpu.memory_space<hbm>>, %arg4: memref<512xi32, #tpu.memory_space<hbm>>, %arg5: memref<16x2x128xi32, #tpu.memory_space<hbm>>, %arg6: memref<16x2x128xi32, #tpu.memory_space<hbm>>, %arg7: memref<2048x128xf32, #tpu.memory_space<hbm>>, %arg8: memref<2048x128xf32, #tpu.memory_space<hbm>>, %arg9: memref<2048x128xf32, #tpu.memory_space<hbm>>, %arg10: memref<64x128xf32, #tpu.memory_space<vmem>>, %arg11: memref<64x128xf32, #tpu.memory_space<vmem>>, %arg12: memref<16x2x128xi32, #tpu.memory_space<vmem>>, %arg13: memref<16x2x128xi32, #tpu.memory_space<vmem>>, %arg14: memref<128x128xf32, #tpu.memory_space<vmem>>, %arg15: memref<64x128xf32, #tpu.memory_space<vmem>>, %arg16: memref<512xi32, #tpu.memory_space<vmem>>, %arg17: memref<16xi32, #tpu.memory_space<vmem>>, %arg18: memref<16xi32, #tpu.memory_space<vmem>>, %arg19: memref<4x128xi32, #tpu.memory_space<vmem>>, %arg20: memref<!tpu.dma_semaphore, #tpu.memory_space<semaphore_mem>>) attributes {dimension_semantics = [#tpu.dimension_semantics<core_parallel>, #tpu.dimension_semantics<subcore_parallel>], iteration_bounds = array<i64: 2, 16>, scalar_prefetch = 0 : i64, scratch_operands = 11 : i64, tpu.core_type = #tpu.core_type<sc_vector_subcore>, window_params = [{transform_indices = #map}, {transform_indices = #map1}, {transform_indices = #map1}, {transform_indices = #map2}, {transform_indices = #map2}, {transform_indices = #map}, {transform_indices = #map}, {transform_indices = #map}]} {
    %mul3A = arith.constant 2 : i32
    %mul3A_0 = arith.muli %arg1, %mul3A : i32
    %add3A = arith.addi %mul3A_0, %arg0 : i32
    %mul3A_1 = arith.constant 16 : i32
    %mul3A_2 = arith.muli %add3A, %mul3A_1 : i32
    %iota3A = tpu.iota {dimensions = array<i32: 0>} : vector<16xi32>
    %broadcast_in_dim3A = arith.constant 1.000000e+00 : f32
    %broadcast_in_dim3A_3 = vector.broadcast %broadcast_in_dim3A : f32 to vector<16xf32>
    %broadcast_in_dim3A_4 = arith.constant -1.000000e+00 : f32
    %broadcast_in_dim3A_5 = vector.broadcast %broadcast_in_dim3A_4 : f32 to vector<16xf32>
    "tpu.region"() ({
      %run_scoped3A = tpu.sem_alloc : memref<!tpu.dma_semaphore, #tpu.memory_space<semaphore_mem>>
      tpu.enqueue_dma source(%arg5 : memref<16x2x128xi32, #tpu.memory_space<hbm>>) target(%arg12 : memref<16x2x128xi32, #tpu.memory_space<vmem>>) target_semaphore(%run_scoped3A : memref<!tpu.dma_semaphore, #tpu.memory_space<semaphore_mem>>)
      tpu.wait_dma2 semaphore(%run_scoped3A : memref<!tpu.dma_semaphore, #tpu.memory_space<semaphore_mem>>) src(%arg5 : memref<16x2x128xi32, #tpu.memory_space<hbm>>) dst(%arg12 : memref<16x2x128xi32, #tpu.memory_space<vmem>>)
      tpu.yield
    }) : () -> ()
    "tpu.region"() ({
      %run_scoped3A = tpu.sem_alloc : memref<!tpu.dma_semaphore, #tpu.memory_space<semaphore_mem>>
      tpu.enqueue_dma source(%arg6 : memref<16x2x128xi32, #tpu.memory_space<hbm>>) target(%arg13 : memref<16x2x128xi32, #tpu.memory_space<vmem>>) target_semaphore(%run_scoped3A : memref<!tpu.dma_semaphore, #tpu.memory_space<semaphore_mem>>)
      tpu.wait_dma2 semaphore(%run_scoped3A : memref<!tpu.dma_semaphore, #tpu.memory_space<semaphore_mem>>) src(%arg6 : memref<16x2x128xi32, #tpu.memory_space<hbm>>) dst(%arg13 : memref<16x2x128xi32, #tpu.memory_space<vmem>>)
      tpu.yield
    }) : () -> ()
    "tpu.region"() ({
      %run_scoped3A = tpu.sem_alloc : memref<!tpu.dma_semaphore, #tpu.memory_space<semaphore_mem>>
      tpu.enqueue_dma source(%arg4 : memref<512xi32, #tpu.memory_space<hbm>>) target(%arg16 : memref<512xi32, #tpu.memory_space<vmem>>) target_semaphore(%run_scoped3A : memref<!tpu.dma_semaphore, #tpu.memory_space<semaphore_mem>>)
      tpu.wait_dma2 semaphore(%run_scoped3A : memref<!tpu.dma_semaphore, #tpu.memory_space<semaphore_mem>>) src(%arg4 : memref<512xi32, #tpu.memory_space<hbm>>) dst(%arg16 : memref<512xi32, #tpu.memory_space<vmem>>)
      tpu.yield
    }) : () -> ()
    "tpu.region"() ({
      %run_scoped3A = tpu.sem_alloc : memref<!tpu.dma_semaphore, #tpu.memory_space<semaphore_mem>>
      %dma_start3A_162 = tpu.memref_slice %arg3[%mul3A_2] : memref<512xi32, #tpu.memory_space<hbm>> -> memref<16xi32, #tpu.memory_space<hbm>>
      %dma_start3A_163 = tpu.memref_slice %arg3[%mul3A_2] : memref<512xi32, #tpu.memory_space<hbm>> -> memref<16xi32, #tpu.memory_space<hbm>>
      tpu.enqueue_dma source(%dma_start3A_163 : memref<16xi32, #tpu.memory_space<hbm>>) target(%arg17 : memref<16xi32, #tpu.memory_space<vmem>>) target_semaphore(%run_scoped3A : memref<!tpu.dma_semaphore, #tpu.memory_space<semaphore_mem>>)
      %dma_wait3A_164 = tpu.memref_slice %arg3[%mul3A_2] : memref<512xi32, #tpu.memory_space<hbm>> -> memref<16xi32, #tpu.memory_space<hbm>>
      %dma_wait3A_165 = tpu.memref_slice %arg3[%mul3A_2] : memref<512xi32, #tpu.memory_space<hbm>> -> memref<16xi32, #tpu.memory_space<hbm>>
      tpu.wait_dma2 semaphore(%run_scoped3A : memref<!tpu.dma_semaphore, #tpu.memory_space<semaphore_mem>>) src(%dma_wait3A_165 : memref<16xi32, #tpu.memory_space<hbm>>) dst(%arg17 : memref<16xi32, #tpu.memory_space<vmem>>)
      tpu.yield
    }) : () -> ()
    %get3A = arith.constant 0 : index
    %get3A_6 = tpu.vector_load %arg17[%get3A] {strides = array<i32>} : memref<16xi32, #tpu.memory_space<vmem>>, vector<16xi32>,
    %jit3A = arith.constant 8 : i32
    %div3A = vector.broadcast %jit3A : i32 to vector<16xi32>
    %div3A_7 = arith.divsi %get3A_6, %div3A : vector<16xi32>
    %sign3A = arith.constant 0 : i32
    %sign3A_8 = vector.broadcast %sign3A : i32 to vector<16xi32>
    %sign3A_9 = arith.cmpi sgt, %get3A_6, %sign3A_8 : vector<16xi32>
    %sign3A_10 = arith.extui %sign3A_9 : vector<16xi1> to vector<16xi32>
    %sign3A_11 = arith.constant 0 : i32
    %sign3A_12 = vector.broadcast %sign3A_11 : i32 to vector<16xi32>
    %sign3A_13 = arith.cmpi slt, %get3A_6, %sign3A_12 : vector<16xi32>
    %sign3A_14 = arith.extui %sign3A_13 : vector<16xi1> to vector<16xi32>
    %sign3A_15 = arith.subi %sign3A_10, %sign3A_14 : vector<16xi32>
    %sign3A_16 = arith.constant 0 : i32
    %sign3A_17 = arith.cmpi sgt, %jit3A, %sign3A_16 : i32
    %sign3A_18 = arith.extui %sign3A_17 : i1 to i32
    %sign3A_19 = arith.constant 0 : i32
    %sign3A_20 = arith.cmpi slt, %jit3A, %sign3A_19 : i32
    %sign3A_21 = arith.extui %sign3A_20 : i1 to i32
    %sign3A_22 = arith.subi %sign3A_18, %sign3A_21 : i32
    %ne3A = vector.broadcast %sign3A_22 : i32 to vector<16xi32>
    %ne3A_23 = arith.cmpi ne, %sign3A_15, %ne3A : vector<16xi32>
    %rem3A = vector.broadcast %jit3A : i32 to vector<16xi32>
    %rem3A_24 = arith.remsi %get3A_6, %rem3A : vector<16xi32>
    %ne3A_25 = arith.constant 0 : i32
    %ne3A_26 = vector.broadcast %ne3A_25 : i32 to vector<16xi32>
    %ne3A_27 = arith.cmpi ne, %rem3A_24, %ne3A_26 : vector<16xi32>
    %and3A = arith.andi %ne3A_23, %ne3A_27 : vector<16xi1>
    %sub3A = arith.constant 1 : i32
    %sub3A_28 = vector.broadcast %sub3A : i32 to vector<16xi32>
    %sub3A_29 = arith.subi %div3A_7, %sub3A_28 : vector<16xi32>
    %select_n3A = arith.select %and3A, %sub3A_29, %div3A_7 : vector<16xi1>, vector<16xi32>
    %mul3A_30 = arith.constant 256 : i32
    %mul3A_31 = vector.broadcast %mul3A_30 : i32 to vector<16xi32>
    %mul3A_32 = arith.muli %select_n3A, %mul3A_31 : vector<16xi32>
    %jit3A_33 = arith.constant 8 : i32
    %eq3A = arith.constant 0 : i32
    %eq3A_34 = arith.cmpi eq, %jit3A_33, %eq3A : i32
    %jit3A_35 = arith.constant 1 : i32
    %select_n3A_36 = arith.select %eq3A_34, %jit3A_35, %jit3A_33 : i32
    %rem3A_37 = vector.broadcast %select_n3A_36 : i32 to vector<16xi32>
    %rem3A_38 = arith.remsi %get3A_6, %rem3A_37 : vector<16xi32>
    %ne3A_39 = arith.constant 0 : i32
    %ne3A_40 = vector.broadcast %ne3A_39 : i32 to vector<16xi32>
    %ne3A_41 = arith.cmpi ne, %rem3A_38, %ne3A_40 : vector<16xi32>
    %lt3A = arith.constant 0 : i32
    %lt3A_42 = vector.broadcast %lt3A : i32 to vector<16xi32>
    %lt3A_43 = arith.cmpi slt, %rem3A_38, %lt3A_42 : vector<16xi32>
    %lt3A_44 = arith.constant 0 : i32
    %lt3A_45 = arith.cmpi slt, %select_n3A_36, %lt3A_44 : i32
    %ne3A_46 = vector.broadcast %lt3A_45 : i1 to vector<16xi1>
    %ne3A_47 = vector.broadcast %ne3A_46 : vector<16xi1> to vector<16xi1>
    %ne3A_48 = arith.xori %lt3A_43, %ne3A_47 : vector<16xi1>
    %and3A_49 = arith.andi %ne3A_48, %ne3A_41 : vector<16xi1>
    %add3A_50 = vector.broadcast %select_n3A_36 : i32 to vector<16xi32>
    %add3A_51 = arith.addi %rem3A_38, %add3A_50 : vector<16xi32>
    %select_n3A_52 = arith.select %and3A_49, %add3A_51, %rem3A_38 : vector<16xi1>, vector<16xi32>
    %add3A_53 = arith.addi %mul3A_32, %select_n3A_52 : vector<16xi32>
    %swap3A = arith.constant 0 : index
    %swap3A_54 = tpu.vector_load %arg18[%swap3A] {strides = array<i32>} : memref<16xi32, #tpu.memory_space<vmem>>, vector<16xi32>,
    tpu.vector_store %arg18[%swap3A], %add3A_53 {strides = array<i32>} : memref<16xi32, #tpu.memory_space<vmem>>, vector<16xi32>,
    %scan3A = arith.constant 0 : i32
    %scan3A_55 = arith.constant 0 : i32
    %scan3A_56 = arith.constant 32 : i32
    %scan3A_57 = arith.addi %scan3A_55, %scan3A_56 : i32
    %scan3A_58 = arith.constant 1 : i32
    scf.for %scan3A_162 = %scan3A_55 to %scan3A_57 step %scan3A_58  : i32 {
      %mul3A_163 = arith.constant 16 : i32
      %mul3A_164 = arith.muli %scan3A_162, %mul3A_163 : i32
      %add3A_165 = vector.broadcast %mul3A_164 : i32 to vector<16xi32>
      %add3A_166 = arith.addi %add3A_165, %iota3A : vector<16xi32>
      %jit3A_167 = arith.constant 32 : i32
      %div3A_168 = vector.broadcast %jit3A_167 : i32 to vector<16xi32>
      %div3A_169 = arith.divsi %add3A_166, %div3A_168 : vector<16xi32>
      %sign3A_170 = arith.constant 0 : i32
      %sign3A_171 = vector.broadcast %sign3A_170 : i32 to vector<16xi32>
      %sign3A_172 = arith.cmpi sgt, %add3A_166, %sign3A_171 : vector<16xi32>
      %sign3A_173 = arith.extui %sign3A_172 : vector<16xi1> to vector<16xi32>
      %sign3A_174 = arith.constant 0 : i32
      %sign3A_175 = vector.broadcast %sign3A_174 : i32 to vector<16xi32>
      %sign3A_176 = arith.cmpi slt, %add3A_166, %sign3A_175 : vector<16xi32>
      %sign3A_177 = arith.extui %sign3A_176 : vector<16xi1> to vector<16xi32>
      %sign3A_178 = arith.subi %sign3A_173, %sign3A_177 : vector<16xi32>
      %sign3A_179 = arith.constant 0 : i32
      %sign3A_180 = arith.cmpi sgt, %jit3A_167, %sign3A_179 : i32
      %sign3A_181 = arith.extui %sign3A_180 : i1 to i32
      %sign3A_182 = arith.constant 0 : i32
      %sign3A_183 = arith.cmpi slt, %jit3A_167, %sign3A_182 : i32
      %sign3A_184 = arith.extui %sign3A_183 : i1 to i32
      %sign3A_185 = arith.subi %sign3A_181, %sign3A_184 : i32
      %ne3A_186 = vector.broadcast %sign3A_185 : i32 to vector<16xi32>
      %ne3A_187 = arith.cmpi ne, %sign3A_178, %ne3A_186 : vector<16xi32>
      %rem3A_188 = vector.broadcast %jit3A_167 : i32 to vector<16xi32>
      %rem3A_189 = arith.remsi %add3A_166, %rem3A_188 : vector<16xi32>
      %ne3A_190 = arith.constant 0 : i32
      %ne3A_191 = vector.broadcast %ne3A_190 : i32 to vector<16xi32>
      %ne3A_192 = arith.cmpi ne, %rem3A_189, %ne3A_191 : vector<16xi32>
      %and3A_193 = arith.andi %ne3A_187, %ne3A_192 : vector<16xi1>
      %sub3A_194 = arith.constant 1 : i32
      %sub3A_195 = vector.broadcast %sub3A_194 : i32 to vector<16xi32>
      %sub3A_196 = arith.subi %div3A_169, %sub3A_195 : vector<16xi32>
      %select_n3A_197 = arith.select %and3A_193, %sub3A_196, %div3A_169 : vector<16xi1>, vector<16xi32>
      %gather3A = tpu.vector_load_idx %arg18[%select_n3A_197] : memref<16xi32, #tpu.memory_space<vmem>>[vector<16xi32>], vector<16xi32>,
      %jit3A_198 = arith.constant 32 : i32
      %eq3A_199 = arith.constant 0 : i32
      %eq3A_200 = arith.cmpi eq, %jit3A_198, %eq3A_199 : i32
      %jit3A_201 = arith.constant 1 : i32
      %select_n3A_202 = arith.select %eq3A_200, %jit3A_201, %jit3A_198 : i32
      %rem3A_203 = vector.broadcast %select_n3A_202 : i32 to vector<16xi32>
      %rem3A_204 = arith.remsi %add3A_166, %rem3A_203 : vector<16xi32>
      %ne3A_205 = arith.constant 0 : i32
      %ne3A_206 = vector.broadcast %ne3A_205 : i32 to vector<16xi32>
      %ne3A_207 = arith.cmpi ne, %rem3A_204, %ne3A_206 : vector<16xi32>
      %lt3A_208 = arith.constant 0 : i32
      %lt3A_209 = vector.broadcast %lt3A_208 : i32 to vector<16xi32>
      %lt3A_210 = arith.cmpi slt, %rem3A_204, %lt3A_209 : vector<16xi32>
      %lt3A_211 = arith.constant 0 : i32
      %lt3A_212 = arith.cmpi slt, %select_n3A_202, %lt3A_211 : i32
      %ne3A_213 = vector.broadcast %lt3A_212 : i1 to vector<16xi1>
      %ne3A_214 = vector.broadcast %ne3A_213 : vector<16xi1> to vector<16xi1>
      %ne3A_215 = arith.xori %lt3A_210, %ne3A_214 : vector<16xi1>
      %and3A_216 = arith.andi %ne3A_215, %ne3A_207 : vector<16xi1>
      %add3A_217 = vector.broadcast %select_n3A_202 : i32 to vector<16xi32>
      %add3A_218 = arith.addi %rem3A_204, %add3A_217 : vector<16xi32>
      %select_n3A_219 = arith.select %and3A_216, %add3A_218, %rem3A_204 : vector<16xi1>, vector<16xi32>
      %mul3A_220 = arith.constant 8 : i32
      %mul3A_221 = vector.broadcast %mul3A_220 : i32 to vector<16xi32>
      %mul3A_222 = arith.muli %mul3A_221, %select_n3A_219 : vector<16xi32>
      %add3A_223 = arith.addi %gather3A, %mul3A_222 : vector<16xi32>
      %jit3A_224 = arith.constant 128 : i32
      %div3A_225 = vector.broadcast %jit3A_224 : i32 to vector<16xi32>
      %div3A_226 = arith.divsi %add3A_166, %div3A_225 : vector<16xi32>
      %sign3A_227 = arith.constant 0 : i32
      %sign3A_228 = vector.broadcast %sign3A_227 : i32 to vector<16xi32>
      %sign3A_229 = arith.cmpi sgt, %add3A_166, %sign3A_228 : vector<16xi32>
      %sign3A_230 = arith.extui %sign3A_229 : vector<16xi1> to vector<16xi32>
      %sign3A_231 = arith.constant 0 : i32
      %sign3A_232 = vector.broadcast %sign3A_231 : i32 to vector<16xi32>
      %sign3A_233 = arith.cmpi slt, %add3A_166, %sign3A_232 : vector<16xi32>
      %sign3A_234 = arith.extui %sign3A_233 : vector<16xi1> to vector<16xi32>
      %sign3A_235 = arith.subi %sign3A_230, %sign3A_234 : vector<16xi32>
      %sign3A_236 = arith.constant 0 : i32
      %sign3A_237 = arith.cmpi sgt, %jit3A_224, %sign3A_236 : i32
      %sign3A_238 = arith.extui %sign3A_237 : i1 to i32
      %sign3A_239 = arith.constant 0 : i32
      %sign3A_240 = arith.cmpi slt, %jit3A_224, %sign3A_239 : i32
      %sign3A_241 = arith.extui %sign3A_240 : i1 to i32
      %sign3A_242 = arith.subi %sign3A_238, %sign3A_241 : i32
      %ne3A_243 = vector.broadcast %sign3A_242 : i32 to vector<16xi32>
      %ne3A_244 = arith.cmpi ne, %sign3A_235, %ne3A_243 : vector<16xi32>
      %rem3A_245 = vector.broadcast %jit3A_224 : i32 to vector<16xi32>
      %rem3A_246 = arith.remsi %add3A_166, %rem3A_245 : vector<16xi32>
      %ne3A_247 = arith.constant 0 : i32
      %ne3A_248 = vector.broadcast %ne3A_247 : i32 to vector<16xi32>
      %ne3A_249 = arith.cmpi ne, %rem3A_246, %ne3A_248 : vector<16xi32>
      %and3A_250 = arith.andi %ne3A_244, %ne3A_249 : vector<16xi1>
      %sub3A_251 = arith.constant 1 : i32
      %sub3A_252 = vector.broadcast %sub3A_251 : i32 to vector<16xi32>
      %sub3A_253 = arith.subi %div3A_226, %sub3A_252 : vector<16xi32>
      %select_n3A_254 = arith.select %and3A_250, %sub3A_253, %div3A_226 : vector<16xi1>, vector<16xi32>
      %jit3A_255 = arith.constant 128 : i32
      %eq3A_256 = arith.constant 0 : i32
      %eq3A_257 = arith.cmpi eq, %jit3A_255, %eq3A_256 : i32
      %jit3A_258 = arith.constant 1 : i32
      %select_n3A_259 = arith.select %eq3A_257, %jit3A_258, %jit3A_255 : i32
      %rem3A_260 = vector.broadcast %select_n3A_259 : i32 to vector<16xi32>
      %rem3A_261 = arith.remsi %add3A_166, %rem3A_260 : vector<16xi32>
      %ne3A_262 = arith.constant 0 : i32
      %ne3A_263 = vector.broadcast %ne3A_262 : i32 to vector<16xi32>
      %ne3A_264 = arith.cmpi ne, %rem3A_261, %ne3A_263 : vector<16xi32>
      %lt3A_265 = arith.constant 0 : i32
      %lt3A_266 = vector.broadcast %lt3A_265 : i32 to vector<16xi32>
      %lt3A_267 = arith.cmpi slt, %rem3A_261, %lt3A_266 : vector<16xi32>
      %lt3A_268 = arith.constant 0 : i32
      %lt3A_269 = arith.cmpi slt, %select_n3A_259, %lt3A_268 : i32
      %ne3A_270 = vector.broadcast %lt3A_269 : i1 to vector<16xi1>
      %ne3A_271 = vector.broadcast %ne3A_270 : vector<16xi1> to vector<16xi1>
      %ne3A_272 = arith.xori %lt3A_267, %ne3A_271 : vector<16xi1>
      %and3A_273 = arith.andi %ne3A_272, %ne3A_264 : vector<16xi1>
      %add3A_274 = vector.broadcast %select_n3A_259 : i32 to vector<16xi32>
      %add3A_275 = arith.addi %rem3A_261, %add3A_274 : vector<16xi32>
      %select_n3A_276 = arith.select %and3A_273, %add3A_275, %rem3A_261 : vector<16xi1>, vector<16xi32>
      tpu.vector_store_idx %arg19[%select_n3A_254, %select_n3A_276], %add3A_223 : memref<4x128xi32, #tpu.memory_space<vmem>>[vector<16xi32>, vector<16xi32>], vector<16xi32>,
    }
    %scan3A_59 = arith.constant 32 : i32
    %dma_start3A = arith.constant 0 : i32
    %dma_start3A_60 = arith.constant 0 : i32
    %dma_start3A_61 = tpu.memref_slice %arg19[%dma_start3A, %dma_start3A_60] : memref<4x128xi32, #tpu.memory_space<vmem>> -> memref<1x128xi32, #tpu.memory_space<vmem>>
    %dma_start3A_62 = tpu.memref_squeeze %dma_start3A_61 : memref<1x128xi32, #tpu.memory_space<vmem>> -> memref<128xi32, #tpu.memory_space<vmem>>
    %dma_start3A_63 = arith.constant 0 : i32
    %dma_start3A_64 = arith.constant 0 : i32
    %dma_start3A_65 = tpu.memref_slice %arg2[%dma_start3A_63, %dma_start3A_64] : memref<131072x128xf32, #tpu.memory_space<hbm>> -> memref<131072x128xf32, #tpu.memory_space<hbm>>
    tpu.enqueue_indirect_dma source(%dma_start3A_65 : memref<131072x128xf32, #tpu.memory_space<hbm>>) target(%arg14 : memref<128x128xf32, #tpu.memory_space<vmem>>) offsets(%dma_start3A_62 : memref<128xi32, #tpu.memory_space<vmem>>) semaphore(%arg20 : memref<!tpu.dma_semaphore, #tpu.memory_space<semaphore_mem>>)
    %dma_wait3A = arith.constant 0 : i32
    %dma_wait3A_66 = arith.constant 0 : i32
    %dma_wait3A_67 = tpu.memref_slice %arg19[%dma_wait3A, %dma_wait3A_66] : memref<4x128xi32, #tpu.memory_space<vmem>> -> memref<1x128xi32, #tpu.memory_space<vmem>>
    %dma_wait3A_68 = tpu.memref_squeeze %dma_wait3A_67 : memref<1x128xi32, #tpu.memory_space<vmem>> -> memref<128xi32, #tpu.memory_space<vmem>>
    %dma_wait3A_69 = arith.constant 0 : i32
    %dma_wait3A_70 = arith.constant 0 : i32
    %dma_wait3A_71 = tpu.memref_slice %arg2[%dma_wait3A_69, %dma_wait3A_70] : memref<131072x128xf32, #tpu.memory_space<hbm>> -> memref<131072x128xf32, #tpu.memory_space<hbm>>
    tpu.wait_indirect_dma semaphore(%arg20 : memref<!tpu.dma_semaphore, #tpu.memory_space<semaphore_mem>>) src(%dma_wait3A_71 : memref<131072x128xf32, #tpu.memory_space<hbm>>) dst(%arg14 : memref<128x128xf32, #tpu.memory_space<vmem>>)
    %scan3A_72 = arith.constant 0 : i32
    %scan3A_73 = arith.constant 0 : i32
    %scan3A_74 = arith.constant 128 : i32
    %scan3A_75 = arith.addi %scan3A_73, %scan3A_74 : i32
    %scan3A_76 = arith.constant 1 : i32
    scf.for %scan3A_162 = %scan3A_73 to %scan3A_75 step %scan3A_76  : i32 {
      %jit3A_163 = arith.constant 32 : i32
      %div3A_164 = arith.divsi %scan3A_162, %jit3A_163 : i32
      %sign3A_165 = arith.constant 0 : i32
      %sign3A_166 = arith.cmpi sgt, %scan3A_162, %sign3A_165 : i32
      %sign3A_167 = arith.extui %sign3A_166 : i1 to i32
      %sign3A_168 = arith.constant 0 : i32
      %sign3A_169 = arith.cmpi slt, %scan3A_162, %sign3A_168 : i32
      %sign3A_170 = arith.extui %sign3A_169 : i1 to i32
      %sign3A_171 = arith.subi %sign3A_167, %sign3A_170 : i32
      %sign3A_172 = arith.constant 0 : i32
      %sign3A_173 = arith.cmpi sgt, %jit3A_163, %sign3A_172 : i32
      %sign3A_174 = arith.extui %sign3A_173 : i1 to i32
      %sign3A_175 = arith.constant 0 : i32
      %sign3A_176 = arith.cmpi slt, %jit3A_163, %sign3A_175 : i32
      %sign3A_177 = arith.extui %sign3A_176 : i1 to i32
      %sign3A_178 = arith.subi %sign3A_174, %sign3A_177 : i32
      %ne3A_179 = arith.cmpi ne, %sign3A_171, %sign3A_178 : i32
      %rem3A_180 = arith.remsi %scan3A_162, %jit3A_163 : i32
      %ne3A_181 = arith.constant 0 : i32
      %ne3A_182 = arith.cmpi ne, %rem3A_180, %ne3A_181 : i32
      %and3A_183 = arith.andi %ne3A_179, %ne3A_182 : i1
      %sub3A_184 = arith.constant 1 : i32
      %sub3A_185 = arith.subi %div3A_164, %sub3A_184 : i32
      %select_n3A_186 = arith.select %and3A_183, %sub3A_185, %div3A_164 : i32
      %jit3A_187 = arith.constant 32 : i32
      %eq3A_188 = arith.constant 0 : i32
      %eq3A_189 = arith.cmpi eq, %jit3A_187, %eq3A_188 : i32
      %jit3A_190 = arith.constant 1 : i32
      %select_n3A_191 = arith.select %eq3A_189, %jit3A_190, %jit3A_187 : i32
      %rem3A_192 = arith.remsi %scan3A_162, %select_n3A_191 : i32
      %ne3A_193 = arith.constant 0 : i32
      %ne3A_194 = arith.cmpi ne, %rem3A_192, %ne3A_193 : i32
      %lt3A_195 = arith.constant 0 : i32
      %lt3A_196 = arith.cmpi slt, %rem3A_192, %lt3A_195 : i32
      %lt3A_197 = arith.constant 0 : i32
      %lt3A_198 = arith.cmpi slt, %select_n3A_191, %lt3A_197 : i32
      %ne3A_199 = arith.xori %lt3A_196, %lt3A_198 : i1
      %and3A_200 = arith.andi %ne3A_199, %ne3A_194 : i1
      %add3A_201 = arith.addi %rem3A_192, %select_n3A_191 : i32
      %select_n3A_202 = arith.select %and3A_200, %add3A_201, %rem3A_192 : i32
      %add3A_203 = arith.constant 0 : i32
      %add3A_204 = arith.addi %add3A_203, %select_n3A_186 : i32
      %mul3A_205 = arith.constant 16 : i32
      %mul3A_206 = arith.muli %select_n3A_202, %mul3A_205 : i32
      %get3A_207 = arith.index_cast %mul3A_206 : i32 to index
      %get3A_208 = tpu.vector_load %arg16[%get3A_207] {strides = array<i32>} : memref<512xi32, #tpu.memory_space<vmem>>, vector<16xi32>,
      %mul3A_209 = arith.constant 32 : i32
      %mul3A_210 = arith.muli %select_n3A_186, %mul3A_209 : i32
      %jit3A_211 = arith.constant 128 : i32
      %div3A_212 = vector.broadcast %jit3A_211 : i32 to vector<16xi32>
      %div3A_213 = arith.divsi %get3A_208, %div3A_212 : vector<16xi32>
      %sign3A_214 = arith.constant 0 : i32
      %sign3A_215 = vector.broadcast %sign3A_214 : i32 to vector<16xi32>
      %sign3A_216 = arith.cmpi sgt, %get3A_208, %sign3A_215 : vector<16xi32>
      %sign3A_217 = arith.extui %sign3A_216 : vector<16xi1> to vector<16xi32>
      %sign3A_218 = arith.constant 0 : i32
      %sign3A_219 = vector.broadcast %sign3A_218 : i32 to vector<16xi32>
      %sign3A_220 = arith.cmpi slt, %get3A_208, %sign3A_219 : vector<16xi32>
      %sign3A_221 = arith.extui %sign3A_220 : vector<16xi1> to vector<16xi32>
      %sign3A_222 = arith.subi %sign3A_217, %sign3A_221 : vector<16xi32>
      %sign3A_223 = arith.constant 0 : i32
      %sign3A_224 = arith.cmpi sgt, %jit3A_211, %sign3A_223 : i32
      %sign3A_225 = arith.extui %sign3A_224 : i1 to i32
      %sign3A_226 = arith.constant 0 : i32
      %sign3A_227 = arith.cmpi slt, %jit3A_211, %sign3A_226 : i32
      %sign3A_228 = arith.extui %sign3A_227 : i1 to i32
      %sign3A_229 = arith.subi %sign3A_225, %sign3A_228 : i32
      %ne3A_230 = vector.broadcast %sign3A_229 : i32 to vector<16xi32>
      %ne3A_231 = arith.cmpi ne, %sign3A_222, %ne3A_230 : vector<16xi32>
      %rem3A_232 = vector.broadcast %jit3A_211 : i32 to vector<16xi32>
      %rem3A_233 = arith.remsi %get3A_208, %rem3A_232 : vector<16xi32>
      %ne3A_234 = arith.constant 0 : i32
      %ne3A_235 = vector.broadcast %ne3A_234 : i32 to vector<16xi32>
      %ne3A_236 = arith.cmpi ne, %rem3A_233, %ne3A_235 : vector<16xi32>
      %and3A_237 = arith.andi %ne3A_231, %ne3A_236 : vector<16xi1>
      %sub3A_238 = arith.constant 1 : i32
      %sub3A_239 = vector.broadcast %sub3A_238 : i32 to vector<16xi32>
      %sub3A_240 = arith.subi %div3A_213, %sub3A_239 : vector<16xi32>
      %select_n3A_241 = arith.select %and3A_237, %sub3A_240, %div3A_213 : vector<16xi1>, vector<16xi32>
      %add3A_242 = vector.broadcast %mul3A_210 : i32 to vector<16xi32>
      %add3A_243 = arith.addi %add3A_242, %select_n3A_241 : vector<16xi32>
      %jit3A_244 = arith.constant 128 : i32
      %eq3A_245 = arith.constant 0 : i32
      %eq3A_246 = arith.cmpi eq, %jit3A_244, %eq3A_245 : i32
      %jit3A_247 = arith.constant 1 : i32
      %select_n3A_248 = arith.select %eq3A_246, %jit3A_247, %jit3A_244 : i32
      %rem3A_249 = vector.broadcast %select_n3A_248 : i32 to vector<16xi32>
      %rem3A_250 = arith.remsi %get3A_208, %rem3A_249 : vector<16xi32>
      %ne3A_251 = arith.constant 0 : i32
      %ne3A_252 = vector.broadcast %ne3A_251 : i32 to vector<16xi32>
      %ne3A_253 = arith.cmpi ne, %rem3A_250, %ne3A_252 : vector<16xi32>
      %lt3A_254 = arith.constant 0 : i32
      %lt3A_255 = vector.broadcast %lt3A_254 : i32 to vector<16xi32>
      %lt3A_256 = arith.cmpi slt, %rem3A_250, %lt3A_255 : vector<16xi32>
      %lt3A_257 = arith.constant 0 : i32
      %lt3A_258 = arith.cmpi slt, %select_n3A_248, %lt3A_257 : i32
      %ne3A_259 = vector.broadcast %lt3A_258 : i1 to vector<16xi1>
      %ne3A_260 = vector.broadcast %ne3A_259 : vector<16xi1> to vector<16xi1>
      %ne3A_261 = arith.xori %lt3A_256, %ne3A_260 : vector<16xi1>
      %and3A_262 = arith.andi %ne3A_261, %ne3A_253 : vector<16xi1>
      %add3A_263 = vector.broadcast %select_n3A_248 : i32 to vector<16xi32>
      %add3A_264 = arith.addi %rem3A_250, %add3A_263 : vector<16xi32>
      %select_n3A_265 = arith.select %and3A_262, %add3A_264, %rem3A_250 : vector<16xi1>, vector<16xi32>
      %gather3A = tpu.vector_load_idx %arg14[%add3A_243, %select_n3A_265] : memref<128x128xf32, #tpu.memory_space<vmem>>[vector<16xi32>, vector<16xi32>], vector<16xf32>,
      %jit3A_266 = arith.constant 8 : i32
      %div3A_267 = arith.divsi %add3A_204, %jit3A_266 : i32
      %sign3A_268 = arith.constant 0 : i32
      %sign3A_269 = arith.cmpi sgt, %add3A_204, %sign3A_268 : i32
      %sign3A_270 = arith.extui %sign3A_269 : i1 to i32
      %sign3A_271 = arith.constant 0 : i32
      %sign3A_272 = arith.cmpi slt, %add3A_204, %sign3A_271 : i32
      %sign3A_273 = arith.extui %sign3A_272 : i1 to i32
      %sign3A_274 = arith.subi %sign3A_270, %sign3A_273 : i32
      %sign3A_275 = arith.constant 0 : i32
      %sign3A_276 = arith.cmpi sgt, %jit3A_266, %sign3A_275 : i32
      %sign3A_277 = arith.extui %sign3A_276 : i1 to i32
      %sign3A_278 = arith.constant 0 : i32
      %sign3A_279 = arith.cmpi slt, %jit3A_266, %sign3A_278 : i32
      %sign3A_280 = arith.extui %sign3A_279 : i1 to i32
      %sign3A_281 = arith.subi %sign3A_277, %sign3A_280 : i32
      %ne3A_282 = arith.cmpi ne, %sign3A_274, %sign3A_281 : i32
      %rem3A_283 = arith.remsi %add3A_204, %jit3A_266 : i32
      %ne3A_284 = arith.constant 0 : i32
      %ne3A_285 = arith.cmpi ne, %rem3A_283, %ne3A_284 : i32
      %and3A_286 = arith.andi %ne3A_282, %ne3A_285 : i1
      %sub3A_287 = arith.constant 1 : i32
      %sub3A_288 = arith.subi %div3A_267, %sub3A_287 : i32
      %select_n3A_289 = arith.select %and3A_286, %sub3A_288, %div3A_267 : i32
      %mul3A_290 = arith.constant 32 : i32
      %mul3A_291 = arith.muli %select_n3A_289, %mul3A_290 : i32
      %jit3A_292 = arith.constant 8 : i32
      %div3A_293 = arith.divsi %select_n3A_202, %jit3A_292 : i32
      %sign3A_294 = arith.constant 0 : i32
      %sign3A_295 = arith.cmpi sgt, %select_n3A_202, %sign3A_294 : i32
      %sign3A_296 = arith.extui %sign3A_295 : i1 to i32
      %sign3A_297 = arith.constant 0 : i32
      %sign3A_298 = arith.cmpi slt, %select_n3A_202, %sign3A_297 : i32
      %sign3A_299 = arith.extui %sign3A_298 : i1 to i32
      %sign3A_300 = arith.subi %sign3A_296, %sign3A_299 : i32
      %sign3A_301 = arith.constant 0 : i32
      %sign3A_302 = arith.cmpi sgt, %jit3A_292, %sign3A_301 : i32
      %sign3A_303 = arith.extui %sign3A_302 : i1 to i32
      %sign3A_304 = arith.constant 0 : i32
      %sign3A_305 = arith.cmpi slt, %jit3A_292, %sign3A_304 : i32
      %sign3A_306 = arith.extui %sign3A_305 : i1 to i32
      %sign3A_307 = arith.subi %sign3A_303, %sign3A_306 : i32
      %ne3A_308 = arith.cmpi ne, %sign3A_300, %sign3A_307 : i32
      %rem3A_309 = arith.remsi %select_n3A_202, %jit3A_292 : i32
      %ne3A_310 = arith.constant 0 : i32
      %ne3A_311 = arith.cmpi ne, %rem3A_309, %ne3A_310 : i32
      %and3A_312 = arith.andi %ne3A_308, %ne3A_311 : i1
      %sub3A_313 = arith.constant 1 : i32
      %sub3A_314 = arith.subi %div3A_293, %sub3A_313 : i32
      %select_n3A_315 = arith.select %and3A_312, %sub3A_314, %div3A_293 : i32
      %mul3A_316 = arith.constant 8 : i32
      %mul3A_317 = arith.muli %select_n3A_315, %mul3A_316 : i32
      %add3A_318 = arith.addi %mul3A_291, %mul3A_317 : i32
      %jit3A_319 = arith.constant 8 : i32
      %eq3A_320 = arith.constant 0 : i32
      %eq3A_321 = arith.cmpi eq, %jit3A_319, %eq3A_320 : i32
      %jit3A_322 = arith.constant 1 : i32
      %select_n3A_323 = arith.select %eq3A_321, %jit3A_322, %jit3A_319 : i32
      %rem3A_324 = arith.remsi %add3A_204, %select_n3A_323 : i32
      %ne3A_325 = arith.constant 0 : i32
      %ne3A_326 = arith.cmpi ne, %rem3A_324, %ne3A_325 : i32
      %lt3A_327 = arith.constant 0 : i32
      %lt3A_328 = arith.cmpi slt, %rem3A_324, %lt3A_327 : i32
      %lt3A_329 = arith.constant 0 : i32
      %lt3A_330 = arith.cmpi slt, %select_n3A_323, %lt3A_329 : i32
      %ne3A_331 = arith.xori %lt3A_328, %lt3A_330 : i1
      %and3A_332 = arith.andi %ne3A_331, %ne3A_326 : i1
      %add3A_333 = arith.addi %rem3A_324, %select_n3A_323 : i32
      %select_n3A_334 = arith.select %and3A_332, %add3A_333, %rem3A_324 : i32
      %add3A_335 = arith.addi %add3A_318, %select_n3A_334 : i32
      %broadcast_in_dim3A_336 = vector.broadcast %add3A_335 : i32 to vector<16xi32>
      %jit3A_337 = arith.constant 8 : i32
      %eq3A_338 = arith.constant 0 : i32
      %eq3A_339 = arith.cmpi eq, %jit3A_337, %eq3A_338 : i32
      %jit3A_340 = arith.constant 1 : i32
      %select_n3A_341 = arith.select %eq3A_339, %jit3A_340, %jit3A_337 : i32
      %rem3A_342 = arith.remsi %select_n3A_202, %select_n3A_341 : i32
      %ne3A_343 = arith.constant 0 : i32
      %ne3A_344 = arith.cmpi ne, %rem3A_342, %ne3A_343 : i32
      %lt3A_345 = arith.constant 0 : i32
      %lt3A_346 = arith.cmpi slt, %rem3A_342, %lt3A_345 : i32
      %lt3A_347 = arith.constant 0 : i32
      %lt3A_348 = arith.cmpi slt, %select_n3A_341, %lt3A_347 : i32
      %ne3A_349 = arith.xori %lt3A_346, %lt3A_348 : i1
      %and3A_350 = arith.andi %ne3A_349, %ne3A_344 : i1
      %add3A_351 = arith.addi %rem3A_342, %select_n3A_341 : i32
      %select_n3A_352 = arith.select %and3A_350, %add3A_351, %rem3A_342 : i32
      %mul3A_353 = arith.constant 16 : i32
      %mul3A_354 = arith.muli %select_n3A_352, %mul3A_353 : i32
      %add3A_355 = vector.broadcast %mul3A_354 : i32 to vector<16xi32>
      %add3A_356 = arith.addi %add3A_355, %iota3A : vector<16xi32>
      tpu.vector_store_idx %arg15[%broadcast_in_dim3A_336, %add3A_356], %gather3A : memref<64x128xf32, #tpu.memory_space<vmem>>[vector<16xi32>, vector<16xi32>], vector<16xf32>,
    }
    %scan3A_77 = arith.constant 128 : i32
    %dma_start3A_78 = arith.constant 1 : i32
    %dma_start3A_79 = arith.constant 0 : i32
    %dma_start3A_80 = tpu.memref_slice %arg19[%dma_start3A_78, %dma_start3A_79] : memref<4x128xi32, #tpu.memory_space<vmem>> -> memref<1x128xi32, #tpu.memory_space<vmem>>
    %dma_start3A_81 = tpu.memref_squeeze %dma_start3A_80 : memref<1x128xi32, #tpu.memory_space<vmem>> -> memref<128xi32, #tpu.memory_space<vmem>>
    %dma_start3A_82 = arith.constant 0 : i32
    %dma_start3A_83 = arith.constant 0 : i32
    %dma_start3A_84 = tpu.memref_slice %arg2[%dma_start3A_82, %dma_start3A_83] : memref<131072x128xf32, #tpu.memory_space<hbm>> -> memref<131072x128xf32, #tpu.memory_space<hbm>>
    tpu.enqueue_indirect_dma source(%dma_start3A_84 : memref<131072x128xf32, #tpu.memory_space<hbm>>) target(%arg14 : memref<128x128xf32, #tpu.memory_space<vmem>>) offsets(%dma_start3A_81 : memref<128xi32, #tpu.memory_space<vmem>>) semaphore(%arg20 : memref<!tpu.dma_semaphore, #tpu.memory_space<semaphore_mem>>)
    %dma_wait3A_85 = arith.constant 1 : i32
    %dma_wait3A_86 = arith.constant 0 : i32
    %dma_wait3A_87 = tpu.memref_slice %arg19[%dma_wait3A_85, %dma_wait3A_86] : memref<4x128xi32, #tpu.memory_space<vmem>> -> memref<1x128xi32, #tpu.memory_space<vmem>>
    %dma_wait3A_88 = tpu.memref_squeeze %dma_wait3A_87 : memref<1x128xi32, #tpu.memory_space<vmem>> -> memref<128xi32, #tpu.memory_space<vmem>>
    %dma_wait3A_89 = arith.constant 0 : i32
    %dma_wait3A_90 = arith.constant 0 : i32
    %dma_wait3A_91 = tpu.memref_slice %arg2[%dma_wait3A_89, %dma_wait3A_90] : memref<131072x128xf32, #tpu.memory_space<hbm>> -> memref<131072x128xf32, #tpu.memory_space<hbm>>
    tpu.wait_indirect_dma semaphore(%arg20 : memref<!tpu.dma_semaphore, #tpu.memory_space<semaphore_mem>>) src(%dma_wait3A_91 : memref<131072x128xf32, #tpu.memory_space<hbm>>) dst(%arg14 : memref<128x128xf32, #tpu.memory_space<vmem>>)
    %scan3A_92 = arith.constant 0 : i32
    %scan3A_93 = arith.constant 0 : i32
    %scan3A_94 = arith.constant 128 : i32
    %scan3A_95 = arith.addi %scan3A_93, %scan3A_94 : i32
    %scan3A_96 = arith.constant 1 : i32
    scf.for %scan3A_162 = %scan3A_93 to %scan3A_95 step %scan3A_96  : i32 {
      %jit3A_163 = arith.constant 32 : i32
      %div3A_164 = arith.divsi %scan3A_162, %jit3A_163 : i32
      %sign3A_165 = arith.constant 0 : i32
      %sign3A_166 = arith.cmpi sgt, %scan3A_162, %sign3A_165 : i32
      %sign3A_167 = arith.extui %sign3A_166 : i1 to i32
      %sign3A_168 = arith.constant 0 : i32
      %sign3A_169 = arith.cmpi slt, %scan3A_162, %sign3A_168 : i32
      %sign3A_170 = arith.extui %sign3A_169 : i1 to i32
      %sign3A_171 = arith.subi %sign3A_167, %sign3A_170 : i32
      %sign3A_172 = arith.constant 0 : i32
      %sign3A_173 = arith.cmpi sgt, %jit3A_163, %sign3A_172 : i32
      %sign3A_174 = arith.extui %sign3A_173 : i1 to i32
      %sign3A_175 = arith.constant 0 : i32
      %sign3A_176 = arith.cmpi slt, %jit3A_163, %sign3A_175 : i32
      %sign3A_177 = arith.extui %sign3A_176 : i1 to i32
      %sign3A_178 = arith.subi %sign3A_174, %sign3A_177 : i32
      %ne3A_179 = arith.cmpi ne, %sign3A_171, %sign3A_178 : i32
      %rem3A_180 = arith.remsi %scan3A_162, %jit3A_163 : i32
      %ne3A_181 = arith.constant 0 : i32
      %ne3A_182 = arith.cmpi ne, %rem3A_180, %ne3A_181 : i32
      %and3A_183 = arith.andi %ne3A_179, %ne3A_182 : i1
      %sub3A_184 = arith.constant 1 : i32
      %sub3A_185 = arith.subi %div3A_164, %sub3A_184 : i32
      %select_n3A_186 = arith.select %and3A_183, %sub3A_185, %div3A_164 : i32
      %jit3A_187 = arith.constant 32 : i32
      %eq3A_188 = arith.constant 0 : i32
      %eq3A_189 = arith.cmpi eq, %jit3A_187, %eq3A_188 : i32
      %jit3A_190 = arith.constant 1 : i32
      %select_n3A_191 = arith.select %eq3A_189, %jit3A_190, %jit3A_187 : i32
      %rem3A_192 = arith.remsi %scan3A_162, %select_n3A_191 : i32
      %ne3A_193 = arith.constant 0 : i32
      %ne3A_194 = arith.cmpi ne, %rem3A_192, %ne3A_193 : i32
      %lt3A_195 = arith.constant 0 : i32
      %lt3A_196 = arith.cmpi slt, %rem3A_192, %lt3A_195 : i32
      %lt3A_197 = arith.constant 0 : i32
      %lt3A_198 = arith.cmpi slt, %select_n3A_191, %lt3A_197 : i32
      %ne3A_199 = arith.xori %lt3A_196, %lt3A_198 : i1
      %and3A_200 = arith.andi %ne3A_199, %ne3A_194 : i1
      %add3A_201 = arith.addi %rem3A_192, %select_n3A_191 : i32
      %select_n3A_202 = arith.select %and3A_200, %add3A_201, %rem3A_192 : i32
      %add3A_203 = arith.constant 4 : i32
      %add3A_204 = arith.addi %add3A_203, %select_n3A_186 : i32
      %mul3A_205 = arith.constant 16 : i32
      %mul3A_206 = arith.muli %select_n3A_202, %mul3A_205 : i32
      %get3A_207 = arith.index_cast %mul3A_206 : i32 to index
      %get3A_208 = tpu.vector_load %arg16[%get3A_207] {strides = array<i32>} : memref<512xi32, #tpu.memory_space<vmem>>, vector<16xi32>,
      %mul3A_209 = arith.constant 32 : i32
      %mul3A_210 = arith.muli %select_n3A_186, %mul3A_209 : i32
      %jit3A_211 = arith.constant 128 : i32
      %div3A_212 = vector.broadcast %jit3A_211 : i32 to vector<16xi32>
      %div3A_213 = arith.divsi %get3A_208, %div3A_212 : vector<16xi32>
      %sign3A_214 = arith.constant 0 : i32
      %sign3A_215 = vector.broadcast %sign3A_214 : i32 to vector<16xi32>
      %sign3A_216 = arith.cmpi sgt, %get3A_208, %sign3A_215 : vector<16xi32>
      %sign3A_217 = arith.extui %sign3A_216 : vector<16xi1> to vector<16xi32>
      %sign3A_218 = arith.constant 0 : i32
      %sign3A_219 = vector.broadcast %sign3A_218 : i32 to vector<16xi32>
      %sign3A_220 = arith.cmpi slt, %get3A_208, %sign3A_219 : vector<16xi32>
      %sign3A_221 = arith.extui %sign3A_220 : vector<16xi1> to vector<16xi32>
      %sign3A_222 = arith.subi %sign3A_217, %sign3A_221 : vector<16xi32>
      %sign3A_223 = arith.constant 0 : i32
      %sign3A_224 = arith.cmpi sgt, %jit3A_211, %sign3A_223 : i32
      %sign3A_225 = arith.extui %sign3A_224 : i1 to i32
      %sign3A_226 = arith.constant 0 : i32
      %sign3A_227 = arith.cmpi slt, %jit3A_211, %sign3A_226 : i32
      %sign3A_228 = arith.extui %sign3A_227 : i1 to i32
      %sign3A_229 = arith.subi %sign3A_225, %sign3A_228 : i32
      %ne3A_230 = vector.broadcast %sign3A_229 : i32 to vector<16xi32>
      %ne3A_231 = arith.cmpi ne, %sign3A_222, %ne3A_230 : vector<16xi32>
      %rem3A_232 = vector.broadcast %jit3A_211 : i32 to vector<16xi32>
      %rem3A_233 = arith.remsi %get3A_208, %rem3A_232 : vector<16xi32>
      %ne3A_234 = arith.constant 0 : i32
      %ne3A_235 = vector.broadcast %ne3A_234 : i32 to vector<16xi32>
      %ne3A_236 = arith.cmpi ne, %rem3A_233, %ne3A_235 : vector<16xi32>
      %and3A_237 = arith.andi %ne3A_231, %ne3A_236 : vector<16xi1>
      %sub3A_238 = arith.constant 1 : i32
      %sub3A_239 = vector.broadcast %sub3A_238 : i32 to vector<16xi32>
      %sub3A_240 = arith.subi %div3A_213, %sub3A_239 : vector<16xi32>
      %select_n3A_241 = arith.select %and3A_237, %sub3A_240, %div3A_213 : vector<16xi1>, vector<16xi32>
      %add3A_242 = vector.broadcast %mul3A_210 : i32 to vector<16xi32>
      %add3A_243 = arith.addi %add3A_242, %select_n3A_241 : vector<16xi32>
      %jit3A_244 = arith.constant 128 : i32
      %eq3A_245 = arith.constant 0 : i32
      %eq3A_246 = arith.cmpi eq, %jit3A_244, %eq3A_245 : i32
      %jit3A_247 = arith.constant 1 : i32
      %select_n3A_248 = arith.select %eq3A_246, %jit3A_247, %jit3A_244 : i32
      %rem3A_249 = vector.broadcast %select_n3A_248 : i32 to vector<16xi32>
      %rem3A_250 = arith.remsi %get3A_208, %rem3A_249 : vector<16xi32>
      %ne3A_251 = arith.constant 0 : i32
      %ne3A_252 = vector.broadcast %ne3A_251 : i32 to vector<16xi32>
      %ne3A_253 = arith.cmpi ne, %rem3A_250, %ne3A_252 : vector<16xi32>
      %lt3A_254 = arith.constant 0 : i32
      %lt3A_255 = vector.broadcast %lt3A_254 : i32 to vector<16xi32>
      %lt3A_256 = arith.cmpi slt, %rem3A_250, %lt3A_255 : vector<16xi32>
      %lt3A_257 = arith.constant 0 : i32
      %lt3A_258 = arith.cmpi slt, %select_n3A_248, %lt3A_257 : i32
      %ne3A_259 = vector.broadcast %lt3A_258 : i1 to vector<16xi1>
      %ne3A_260 = vector.broadcast %ne3A_259 : vector<16xi1> to vector<16xi1>
      %ne3A_261 = arith.xori %lt3A_256, %ne3A_260 : vector<16xi1>
      %and3A_262 = arith.andi %ne3A_261, %ne3A_253 : vector<16xi1>
      %add3A_263 = vector.broadcast %select_n3A_248 : i32 to vector<16xi32>
      %add3A_264 = arith.addi %rem3A_250, %add3A_263 : vector<16xi32>
      %select_n3A_265 = arith.select %and3A_262, %add3A_264, %rem3A_250 : vector<16xi1>, vector<16xi32>
      %gather3A = tpu.vector_load_idx %arg14[%add3A_243, %select_n3A_265] : memref<128x128xf32, #tpu.memory_space<vmem>>[vector<16xi32>, vector<16xi32>], vector<16xf32>,
      %jit3A_266 = arith.constant 8 : i32
      %div3A_267 = arith.divsi %add3A_204, %jit3A_266 : i32
      %sign3A_268 = arith.constant 0 : i32
      %sign3A_269 = arith.cmpi sgt, %add3A_204, %sign3A_268 : i32
      %sign3A_270 = arith.extui %sign3A_269 : i1 to i32
      %sign3A_271 = arith.constant 0 : i32
      %sign3A_272 = arith.cmpi slt, %add3A_204, %sign3A_271 : i32
      %sign3A_273 = arith.extui %sign3A_272 : i1 to i32
      %sign3A_274 = arith.subi %sign3A_270, %sign3A_273 : i32
      %sign3A_275 = arith.constant 0 : i32
      %sign3A_276 = arith.cmpi sgt, %jit3A_266, %sign3A_275 : i32
      %sign3A_277 = arith.extui %sign3A_276 : i1 to i32
      %sign3A_278 = arith.constant 0 : i32
      %sign3A_279 = arith.cmpi slt, %jit3A_266, %sign3A_278 : i32
      %sign3A_280 = arith.extui %sign3A_279 : i1 to i32
      %sign3A_281 = arith.subi %sign3A_277, %sign3A_280 : i32
      %ne3A_282 = arith.cmpi ne, %sign3A_274, %sign3A_281 : i32
      %rem3A_283 = arith.remsi %add3A_204, %jit3A_266 : i32
      %ne3A_284 = arith.constant 0 : i32
      %ne3A_285 = arith.cmpi ne, %rem3A_283, %ne3A_284 : i32
      %and3A_286 = arith.andi %ne3A_282, %ne3A_285 : i1
      %sub3A_287 = arith.constant 1 : i32
      %sub3A_288 = arith.subi %div3A_267, %sub3A_287 : i32
      %select_n3A_289 = arith.select %and3A_286, %sub3A_288, %div3A_267 : i32
      %mul3A_290 = arith.constant 32 : i32
      %mul3A_291 = arith.muli %select_n3A_289, %mul3A_290 : i32
      %jit3A_292 = arith.constant 8 : i32
      %div3A_293 = arith.divsi %select_n3A_202, %jit3A_292 : i32
      %sign3A_294 = arith.constant 0 : i32
      %sign3A_295 = arith.cmpi sgt, %select_n3A_202, %sign3A_294 : i32
      %sign3A_296 = arith.extui %sign3A_295 : i1 to i32
      %sign3A_297 = arith.constant 0 : i32
      %sign3A_298 = arith.cmpi slt, %select_n3A_202, %sign3A_297 : i32
      %sign3A_299 = arith.extui %sign3A_298 : i1 to i32
      %sign3A_300 = arith.subi %sign3A_296, %sign3A_299 : i32
      %sign3A_301 = arith.constant 0 : i32
      %sign3A_302 = arith.cmpi sgt, %jit3A_292, %sign3A_301 : i32
      %sign3A_303 = arith.extui %sign3A_302 : i1 to i32
      %sign3A_304 = arith.constant 0 : i32
      %sign3A_305 = arith.cmpi slt, %jit3A_292, %sign3A_304 : i32
      %sign3A_306 = arith.extui %sign3A_305 : i1 to i32
      %sign3A_307 = arith.subi %sign3A_303, %sign3A_306 : i32
      %ne3A_308 = arith.cmpi ne, %sign3A_300, %sign3A_307 : i32
      %rem3A_309 = arith.remsi %select_n3A_202, %jit3A_292 : i32
      %ne3A_310 = arith.constant 0 : i32
      %ne3A_311 = arith.cmpi ne, %rem3A_309, %ne3A_310 : i32
      %and3A_312 = arith.andi %ne3A_308, %ne3A_311 : i1
      %sub3A_313 = arith.constant 1 : i32
      %sub3A_314 = arith.subi %div3A_293, %sub3A_313 : i32
      %select_n3A_315 = arith.select %and3A_312, %sub3A_314, %div3A_293 : i32
      %mul3A_316 = arith.constant 8 : i32
      %mul3A_317 = arith.muli %select_n3A_315, %mul3A_316 : i32
      %add3A_318 = arith.addi %mul3A_291, %mul3A_317 : i32
      %jit3A_319 = arith.constant 8 : i32
      %eq3A_320 = arith.constant 0 : i32
      %eq3A_321 = arith.cmpi eq, %jit3A_319, %eq3A_320 : i32
      %jit3A_322 = arith.constant 1 : i32
      %select_n3A_323 = arith.select %eq3A_321, %jit3A_322, %jit3A_319 : i32
      %rem3A_324 = arith.remsi %add3A_204, %select_n3A_323 : i32
      %ne3A_325 = arith.constant 0 : i32
      %ne3A_326 = arith.cmpi ne, %rem3A_324, %ne3A_325 : i32
      %lt3A_327 = arith.constant 0 : i32
      %lt3A_328 = arith.cmpi slt, %rem3A_324, %lt3A_327 : i32
      %lt3A_329 = arith.constant 0 : i32
      %lt3A_330 = arith.cmpi slt, %select_n3A_323, %lt3A_329 : i32
      %ne3A_331 = arith.xori %lt3A_328, %lt3A_330 : i1
      %and3A_332 = arith.andi %ne3A_331, %ne3A_326 : i1
      %add3A_333 = arith.addi %rem3A_324, %select_n3A_323 : i32
      %select_n3A_334 = arith.select %and3A_332, %add3A_333, %rem3A_324 : i32
      %add3A_335 = arith.addi %add3A_318, %select_n3A_334 : i32
      %broadcast_in_dim3A_336 = vector.broadcast %add3A_335 : i32 to vector<16xi32>
      %jit3A_337 = arith.constant 8 : i32
      %eq3A_338 = arith.constant 0 : i32
      %eq3A_339 = arith.cmpi eq, %jit3A_337, %eq3A_338 : i32
      %jit3A_340 = arith.constant 1 : i32
      %select_n3A_341 = arith.select %eq3A_339, %jit3A_340, %jit3A_337 : i32
      %rem3A_342 = arith.remsi %select_n3A_202, %select_n3A_341 : i32
      %ne3A_343 = arith.constant 0 : i32
      %ne3A_344 = arith.cmpi ne, %rem3A_342, %ne3A_343 : i32
      %lt3A_345 = arith.constant 0 : i32
      %lt3A_346 = arith.cmpi slt, %rem3A_342, %lt3A_345 : i32
      %lt3A_347 = arith.constant 0 : i32
      %lt3A_348 = arith.cmpi slt, %select_n3A_341, %lt3A_347 : i32
      %ne3A_349 = arith.xori %lt3A_346, %lt3A_348 : i1
      %and3A_350 = arith.andi %ne3A_349, %ne3A_344 : i1
      %add3A_351 = arith.addi %rem3A_342, %select_n3A_341 : i32
      %select_n3A_352 = arith.select %and3A_350, %add3A_351, %rem3A_342 : i32
      %mul3A_353 = arith.constant 16 : i32
      %mul3A_354 = arith.muli %select_n3A_352, %mul3A_353 : i32
      %add3A_355 = vector.broadcast %mul3A_354 : i32 to vector<16xi32>
      %add3A_356 = arith.addi %add3A_355, %iota3A : vector<16xi32>
      tpu.vector_store_idx %arg15[%broadcast_in_dim3A_336, %add3A_356], %gather3A : memref<64x128xf32, #tpu.memory_space<vmem>>[vector<16xi32>, vector<16xi32>], vector<16xf32>,
    }
    %scan3A_97 = arith.constant 128 : i32
    %dma_start3A_98 = arith.constant 2 : i32
    %dma_start3A_99 = arith.constant 0 : i32
    %dma_start3A_100 = tpu.memref_slice %arg19[%dma_start3A_98, %dma_start3A_99] : memref<4x128xi32, #tpu.memory_space<vmem>> -> memref<1x128xi32, #tpu.memory_space<vmem>>
    %dma_start3A_101 = tpu.memref_squeeze %dma_start3A_100 : memref<1x128xi32, #tpu.memory_space<vmem>> -> memref<128xi32, #tpu.memory_space<vmem>>
    %dma_start3A_102 = arith.constant 0 : i32
    %dma_start3A_103 = arith.constant 0 : i32
    %dma_start3A_104 = tpu.memref_slice %arg2[%dma_start3A_102, %dma_start3A_103] : memref<131072x128xf32, #tpu.memory_space<hbm>> -> memref<131072x128xf32, #tpu.memory_space<hbm>>
    tpu.enqueue_indirect_dma source(%dma_start3A_104 : memref<131072x128xf32, #tpu.memory_space<hbm>>) target(%arg14 : memref<128x128xf32, #tpu.memory_space<vmem>>) offsets(%dma_start3A_101 : memref<128xi32, #tpu.memory_space<vmem>>) semaphore(%arg20 : memref<!tpu.dma_semaphore, #tpu.memory_space<semaphore_mem>>)
    %dma_wait3A_105 = arith.constant 2 : i32
    %dma_wait3A_106 = arith.constant 0 : i32
    %dma_wait3A_107 = tpu.memref_slice %arg19[%dma_wait3A_105, %dma_wait3A_106] : memref<4x128xi32, #tpu.memory_space<vmem>> -> memref<1x128xi32, #tpu.memory_space<vmem>>
    %dma_wait3A_108 = tpu.memref_squeeze %dma_wait3A_107 : memref<1x128xi32, #tpu.memory_space<vmem>> -> memref<128xi32, #tpu.memory_space<vmem>>
    %dma_wait3A_109 = arith.constant 0 : i32
    %dma_wait3A_110 = arith.constant 0 : i32
    %dma_wait3A_111 = tpu.memref_slice %arg2[%dma_wait3A_109, %dma_wait3A_110] : memref<131072x128xf32, #tpu.memory_space<hbm>> -> memref<131072x128xf32, #tpu.memory_space<hbm>>
    tpu.wait_indirect_dma semaphore(%arg20 : memref<!tpu.dma_semaphore, #tpu.memory_space<semaphore_mem>>) src(%dma_wait3A_111 : memref<131072x128xf32, #tpu.memory_space<hbm>>) dst(%arg14 : memref<128x128xf32, #tpu.memory_space<vmem>>)
    %scan3A_112 = arith.constant 0 : i32
    %scan3A_113 = arith.constant 0 : i32
    %scan3A_114 = arith.constant 128 : i32
    %scan3A_115 = arith.addi %scan3A_113, %scan3A_114 : i32
    %scan3A_116 = arith.constant 1 : i32
    scf.for %scan3A_162 = %scan3A_113 to %scan3A_115 step %scan3A_116  : i32 {
      %jit3A_163 = arith.constant 32 : i32
      %div3A_164 = arith.divsi %scan3A_162, %jit3A_163 : i32
      %sign3A_165 = arith.constant 0 : i32
      %sign3A_166 = arith.cmpi sgt, %scan3A_162, %sign3A_165 : i32
      %sign3A_167 = arith.extui %sign3A_166 : i1 to i32
      %sign3A_168 = arith.constant 0 : i32
      %sign3A_169 = arith.cmpi slt, %scan3A_162, %sign3A_168 : i32
      %sign3A_170 = arith.extui %sign3A_169 : i1 to i32
      %sign3A_171 = arith.subi %sign3A_167, %sign3A_170 : i32
      %sign3A_172 = arith.constant 0 : i32
      %sign3A_173 = arith.cmpi sgt, %jit3A_163, %sign3A_172 : i32
      %sign3A_174 = arith.extui %sign3A_173 : i1 to i32
      %sign3A_175 = arith.constant 0 : i32
      %sign3A_176 = arith.cmpi slt, %jit3A_163, %sign3A_175 : i32
      %sign3A_177 = arith.extui %sign3A_176 : i1 to i32
      %sign3A_178 = arith.subi %sign3A_174, %sign3A_177 : i32
      %ne3A_179 = arith.cmpi ne, %sign3A_171, %sign3A_178 : i32
      %rem3A_180 = arith.remsi %scan3A_162, %jit3A_163 : i32
      %ne3A_181 = arith.constant 0 : i32
      %ne3A_182 = arith.cmpi ne, %rem3A_180, %ne3A_181 : i32
      %and3A_183 = arith.andi %ne3A_179, %ne3A_182 : i1
      %sub3A_184 = arith.constant 1 : i32
      %sub3A_185 = arith.subi %div3A_164, %sub3A_184 : i32
      %select_n3A_186 = arith.select %and3A_183, %sub3A_185, %div3A_164 : i32
      %jit3A_187 = arith.constant 32 : i32
      %eq3A_188 = arith.constant 0 : i32
      %eq3A_189 = arith.cmpi eq, %jit3A_187, %eq3A_188 : i32
      %jit3A_190 = arith.constant 1 : i32
      %select_n3A_191 = arith.select %eq3A_189, %jit3A_190, %jit3A_187 : i32
      %rem3A_192 = arith.remsi %scan3A_162, %select_n3A_191 : i32
      %ne3A_193 = arith.constant 0 : i32
      %ne3A_194 = arith.cmpi ne, %rem3A_192, %ne3A_193 : i32
      %lt3A_195 = arith.constant 0 : i32
      %lt3A_196 = arith.cmpi slt, %rem3A_192, %lt3A_195 : i32
      %lt3A_197 = arith.constant 0 : i32
      %lt3A_198 = arith.cmpi slt, %select_n3A_191, %lt3A_197 : i32
      %ne3A_199 = arith.xori %lt3A_196, %lt3A_198 : i1
      %and3A_200 = arith.andi %ne3A_199, %ne3A_194 : i1
      %add3A_201 = arith.addi %rem3A_192, %select_n3A_191 : i32
      %select_n3A_202 = arith.select %and3A_200, %add3A_201, %rem3A_192 : i32
      %add3A_203 = arith.constant 8 : i32
      %add3A_204 = arith.addi %add3A_203, %select_n3A_186 : i32
      %mul3A_205 = arith.constant 16 : i32
      %mul3A_206 = arith.muli %select_n3A_202, %mul3A_205 : i32
      %get3A_207 = arith.index_cast %mul3A_206 : i32 to index
      %get3A_208 = tpu.vector_load %arg16[%get3A_207] {strides = array<i32>} : memref<512xi32, #tpu.memory_space<vmem>>, vector<16xi32>,
      %mul3A_209 = arith.constant 32 : i32
      %mul3A_210 = arith.muli %select_n3A_186, %mul3A_209 : i32
      %jit3A_211 = arith.constant 128 : i32
      %div3A_212 = vector.broadcast %jit3A_211 : i32 to vector<16xi32>
      %div3A_213 = arith.divsi %get3A_208, %div3A_212 : vector<16xi32>
      %sign3A_214 = arith.constant 0 : i32
      %sign3A_215 = vector.broadcast %sign3A_214 : i32 to vector<16xi32>
      %sign3A_216 = arith.cmpi sgt, %get3A_208, %sign3A_215 : vector<16xi32>
      %sign3A_217 = arith.extui %sign3A_216 : vector<16xi1> to vector<16xi32>
      %sign3A_218 = arith.constant 0 : i32
      %sign3A_219 = vector.broadcast %sign3A_218 : i32 to vector<16xi32>
      %sign3A_220 = arith.cmpi slt, %get3A_208, %sign3A_219 : vector<16xi32>
      %sign3A_221 = arith.extui %sign3A_220 : vector<16xi1> to vector<16xi32>
      %sign3A_222 = arith.subi %sign3A_217, %sign3A_221 : vector<16xi32>
      %sign3A_223 = arith.constant 0 : i32
      %sign3A_224 = arith.cmpi sgt, %jit3A_211, %sign3A_223 : i32
      %sign3A_225 = arith.extui %sign3A_224 : i1 to i32
      %sign3A_226 = arith.constant 0 : i32
      %sign3A_227 = arith.cmpi slt, %jit3A_211, %sign3A_226 : i32
      %sign3A_228 = arith.extui %sign3A_227 : i1 to i32
      %sign3A_229 = arith.subi %sign3A_225, %sign3A_228 : i32
      %ne3A_230 = vector.broadcast %sign3A_229 : i32 to vector<16xi32>
      %ne3A_231 = arith.cmpi ne, %sign3A_222, %ne3A_230 : vector<16xi32>
      %rem3A_232 = vector.broadcast %jit3A_211 : i32 to vector<16xi32>
      %rem3A_233 = arith.remsi %get3A_208, %rem3A_232 : vector<16xi32>
      %ne3A_234 = arith.constant 0 : i32
      %ne3A_235 = vector.broadcast %ne3A_234 : i32 to vector<16xi32>
      %ne3A_236 = arith.cmpi ne, %rem3A_233, %ne3A_235 : vector<16xi32>
      %and3A_237 = arith.andi %ne3A_231, %ne3A_236 : vector<16xi1>
      %sub3A_238 = arith.constant 1 : i32
      %sub3A_239 = vector.broadcast %sub3A_238 : i32 to vector<16xi32>
      %sub3A_240 = arith.subi %div3A_213, %sub3A_239 : vector<16xi32>
      %select_n3A_241 = arith.select %and3A_237, %sub3A_240, %div3A_213 : vector<16xi1>, vector<16xi32>
      %add3A_242 = vector.broadcast %mul3A_210 : i32 to vector<16xi32>
      %add3A_243 = arith.addi %add3A_242, %select_n3A_241 : vector<16xi32>
      %jit3A_244 = arith.constant 128 : i32
      %eq3A_245 = arith.constant 0 : i32
      %eq3A_246 = arith.cmpi eq, %jit3A_244, %eq3A_245 : i32
      %jit3A_247 = arith.constant 1 : i32
      %select_n3A_248 = arith.select %eq3A_246, %jit3A_247, %jit3A_244 : i32
      %rem3A_249 = vector.broadcast %select_n3A_248 : i32 to vector<16xi32>
      %rem3A_250 = arith.remsi %get3A_208, %rem3A_249 : vector<16xi32>
      %ne3A_251 = arith.constant 0 : i32
      %ne3A_252 = vector.broadcast %ne3A_251 : i32 to vector<16xi32>
      %ne3A_253 = arith.cmpi ne, %rem3A_250, %ne3A_252 : vector<16xi32>
      %lt3A_254 = arith.constant 0 : i32
      %lt3A_255 = vector.broadcast %lt3A_254 : i32 to vector<16xi32>
      %lt3A_256 = arith.cmpi slt, %rem3A_250, %lt3A_255 : vector<16xi32>
      %lt3A_257 = arith.constant 0 : i32
      %lt3A_258 = arith.cmpi slt, %select_n3A_248, %lt3A_257 : i32
      %ne3A_259 = vector.broadcast %lt3A_258 : i1 to vector<16xi1>
      %ne3A_260 = vector.broadcast %ne3A_259 : vector<16xi1> to vector<16xi1>
      %ne3A_261 = arith.xori %lt3A_256, %ne3A_260 : vector<16xi1>
      %and3A_262 = arith.andi %ne3A_261, %ne3A_253 : vector<16xi1>
      %add3A_263 = vector.broadcast %select_n3A_248 : i32 to vector<16xi32>
      %add3A_264 = arith.addi %rem3A_250, %add3A_263 : vector<16xi32>
      %select_n3A_265 = arith.select %and3A_262, %add3A_264, %rem3A_250 : vector<16xi1>, vector<16xi32>
      %gather3A = tpu.vector_load_idx %arg14[%add3A_243, %select_n3A_265] : memref<128x128xf32, #tpu.memory_space<vmem>>[vector<16xi32>, vector<16xi32>], vector<16xf32>,
      %jit3A_266 = arith.constant 8 : i32
      %div3A_267 = arith.divsi %add3A_204, %jit3A_266 : i32
      %sign3A_268 = arith.constant 0 : i32
      %sign3A_269 = arith.cmpi sgt, %add3A_204, %sign3A_268 : i32
      %sign3A_270 = arith.extui %sign3A_269 : i1 to i32
      %sign3A_271 = arith.constant 0 : i32
      %sign3A_272 = arith.cmpi slt, %add3A_204, %sign3A_271 : i32
      %sign3A_273 = arith.extui %sign3A_272 : i1 to i32
      %sign3A_274 = arith.subi %sign3A_270, %sign3A_273 : i32
      %sign3A_275 = arith.constant 0 : i32
      %sign3A_276 = arith.cmpi sgt, %jit3A_266, %sign3A_275 : i32
      %sign3A_277 = arith.extui %sign3A_276 : i1 to i32
      %sign3A_278 = arith.constant 0 : i32
      %sign3A_279 = arith.cmpi slt, %jit3A_266, %sign3A_278 : i32
      %sign3A_280 = arith.extui %sign3A_279 : i1 to i32
      %sign3A_281 = arith.subi %sign3A_277, %sign3A_280 : i32
      %ne3A_282 = arith.cmpi ne, %sign3A_274, %sign3A_281 : i32
      %rem3A_283 = arith.remsi %add3A_204, %jit3A_266 : i32
      %ne3A_284 = arith.constant 0 : i32
      %ne3A_285 = arith.cmpi ne, %rem3A_283, %ne3A_284 : i32
      %and3A_286 = arith.andi %ne3A_282, %ne3A_285 : i1
      %sub3A_287 = arith.constant 1 : i32
      %sub3A_288 = arith.subi %div3A_267, %sub3A_287 : i32
      %select_n3A_289 = arith.select %and3A_286, %sub3A_288, %div3A_267 : i32
      %mul3A_290 = arith.constant 32 : i32
      %mul3A_291 = arith.muli %select_n3A_289, %mul3A_290 : i32
      %jit3A_292 = arith.constant 8 : i32
      %div3A_293 = arith.divsi %select_n3A_202, %jit3A_292 : i32
      %sign3A_294 = arith.constant 0 : i32
      %sign3A_295 = arith.cmpi sgt, %select_n3A_202, %sign3A_294 : i32
      %sign3A_296 = arith.extui %sign3A_295 : i1 to i32
      %sign3A_297 = arith.constant 0 : i32
      %sign3A_298 = arith.cmpi slt, %select_n3A_202, %sign3A_297 : i32
      %sign3A_299 = arith.extui %sign3A_298 : i1 to i32
      %sign3A_300 = arith.subi %sign3A_296, %sign3A_299 : i32
      %sign3A_301 = arith.constant 0 : i32
      %sign3A_302 = arith.cmpi sgt, %jit3A_292, %sign3A_301 : i32
      %sign3A_303 = arith.extui %sign3A_302 : i1 to i32
      %sign3A_304 = arith.constant 0 : i32
      %sign3A_305 = arith.cmpi slt, %jit3A_292, %sign3A_304 : i32
      %sign3A_306 = arith.extui %sign3A_305 : i1 to i32
      %sign3A_307 = arith.subi %sign3A_303, %sign3A_306 : i32
      %ne3A_308 = arith.cmpi ne, %sign3A_300, %sign3A_307 : i32
      %rem3A_309 = arith.remsi %select_n3A_202, %jit3A_292 : i32
      %ne3A_310 = arith.constant 0 : i32
      %ne3A_311 = arith.cmpi ne, %rem3A_309, %ne3A_310 : i32
      %and3A_312 = arith.andi %ne3A_308, %ne3A_311 : i1
      %sub3A_313 = arith.constant 1 : i32
      %sub3A_314 = arith.subi %div3A_293, %sub3A_313 : i32
      %select_n3A_315 = arith.select %and3A_312, %sub3A_314, %div3A_293 : i32
      %mul3A_316 = arith.constant 8 : i32
      %mul3A_317 = arith.muli %select_n3A_315, %mul3A_316 : i32
      %add3A_318 = arith.addi %mul3A_291, %mul3A_317 : i32
      %jit3A_319 = arith.constant 8 : i32
      %eq3A_320 = arith.constant 0 : i32
      %eq3A_321 = arith.cmpi eq, %jit3A_319, %eq3A_320 : i32
      %jit3A_322 = arith.constant 1 : i32
      %select_n3A_323 = arith.select %eq3A_321, %jit3A_322, %jit3A_319 : i32
      %rem3A_324 = arith.remsi %add3A_204, %select_n3A_323 : i32
      %ne3A_325 = arith.constant 0 : i32
      %ne3A_326 = arith.cmpi ne, %rem3A_324, %ne3A_325 : i32
      %lt3A_327 = arith.constant 0 : i32
      %lt3A_328 = arith.cmpi slt, %rem3A_324, %lt3A_327 : i32
      %lt3A_329 = arith.constant 0 : i32
      %lt3A_330 = arith.cmpi slt, %select_n3A_323, %lt3A_329 : i32
      %ne3A_331 = arith.xori %lt3A_328, %lt3A_330 : i1
      %and3A_332 = arith.andi %ne3A_331, %ne3A_326 : i1
      %add3A_333 = arith.addi %rem3A_324, %select_n3A_323 : i32
      %select_n3A_334 = arith.select %and3A_332, %add3A_333, %rem3A_324 : i32
      %add3A_335 = arith.addi %add3A_318, %select_n3A_334 : i32
      %broadcast_in_dim3A_336 = vector.broadcast %add3A_335 : i32 to vector<16xi32>
      %jit3A_337 = arith.constant 8 : i32
      %eq3A_338 = arith.constant 0 : i32
      %eq3A_339 = arith.cmpi eq, %jit3A_337, %eq3A_338 : i32
      %jit3A_340 = arith.constant 1 : i32
      %select_n3A_341 = arith.select %eq3A_339, %jit3A_340, %jit3A_337 : i32
      %rem3A_342 = arith.remsi %select_n3A_202, %select_n3A_341 : i32
      %ne3A_343 = arith.constant 0 : i32
      %ne3A_344 = arith.cmpi ne, %rem3A_342, %ne3A_343 : i32
      %lt3A_345 = arith.constant 0 : i32
      %lt3A_346 = arith.cmpi slt, %rem3A_342, %lt3A_345 : i32
      %lt3A_347 = arith.constant 0 : i32
      %lt3A_348 = arith.cmpi slt, %select_n3A_341, %lt3A_347 : i32
      %ne3A_349 = arith.xori %lt3A_346, %lt3A_348 : i1
      %and3A_350 = arith.andi %ne3A_349, %ne3A_344 : i1
      %add3A_351 = arith.addi %rem3A_342, %select_n3A_341 : i32
      %select_n3A_352 = arith.select %and3A_350, %add3A_351, %rem3A_342 : i32
      %mul3A_353 = arith.constant 16 : i32
      %mul3A_354 = arith.muli %select_n3A_352, %mul3A_353 : i32
      %add3A_355 = vector.broadcast %mul3A_354 : i32 to vector<16xi32>
      %add3A_356 = arith.addi %add3A_355, %iota3A : vector<16xi32>
      tpu.vector_store_idx %arg15[%broadcast_in_dim3A_336, %add3A_356], %gather3A : memref<64x128xf32, #tpu.memory_space<vmem>>[vector<16xi32>, vector<16xi32>], vector<16xf32>,
    }
    %scan3A_117 = arith.constant 128 : i32
    %dma_start3A_118 = arith.constant 3 : i32
    %dma_start3A_119 = arith.constant 0 : i32
    %dma_start3A_120 = tpu.memref_slice %arg19[%dma_start3A_118, %dma_start3A_119] : memref<4x128xi32, #tpu.memory_space<vmem>> -> memref<1x128xi32, #tpu.memory_space<vmem>>
    %dma_start3A_121 = tpu.memref_squeeze %dma_start3A_120 : memref<1x128xi32, #tpu.memory_space<vmem>> -> memref<128xi32, #tpu.memory_space<vmem>>
    %dma_start3A_122 = arith.constant 0 : i32
    %dma_start3A_123 = arith.constant 0 : i32
    %dma_start3A_124 = tpu.memref_slice %arg2[%dma_start3A_122, %dma_start3A_123] : memref<131072x128xf32, #tpu.memory_space<hbm>> -> memref<131072x128xf32, #tpu.memory_space<hbm>>
    tpu.enqueue_indirect_dma source(%dma_start3A_124 : memref<131072x128xf32, #tpu.memory_space<hbm>>) target(%arg14 : memref<128x128xf32, #tpu.memory_space<vmem>>) offsets(%dma_start3A_121 : memref<128xi32, #tpu.memory_space<vmem>>) semaphore(%arg20 : memref<!tpu.dma_semaphore, #tpu.memory_space<semaphore_mem>>)
    %dma_wait3A_125 = arith.constant 3 : i32
    %dma_wait3A_126 = arith.constant 0 : i32
    %dma_wait3A_127 = tpu.memref_slice %arg19[%dma_wait3A_125, %dma_wait3A_126] : memref<4x128xi32, #tpu.memory_space<vmem>> -> memref<1x128xi32, #tpu.memory_space<vmem>>
    %dma_wait3A_128 = tpu.memref_squeeze %dma_wait3A_127 : memref<1x128xi32, #tpu.memory_space<vmem>> -> memref<128xi32, #tpu.memory_space<vmem>>
    %dma_wait3A_129 = arith.constant 0 : i32
    %dma_wait3A_130 = arith.constant 0 : i32
    %dma_wait3A_131 = tpu.memref_slice %arg2[%dma_wait3A_129, %dma_wait3A_130] : memref<131072x128xf32, #tpu.memory_space<hbm>> -> memref<131072x128xf32, #tpu.memory_space<hbm>>
    tpu.wait_indirect_dma semaphore(%arg20 : memref<!tpu.dma_semaphore, #tpu.memory_space<semaphore_mem>>) src(%dma_wait3A_131 : memref<131072x128xf32, #tpu.memory_space<hbm>>) dst(%arg14 : memref<128x128xf32, #tpu.memory_space<vmem>>)
    %scan3A_132 = arith.constant 0 : i32
    %scan3A_133 = arith.constant 0 : i32
    %scan3A_134 = arith.constant 128 : i32
    %scan3A_135 = arith.addi %scan3A_133, %scan3A_134 : i32
    %scan3A_136 = arith.constant 1 : i32
    scf.for %scan3A_162 = %scan3A_133 to %scan3A_135 step %scan3A_136  : i32 {
      %jit3A_163 = arith.constant 32 : i32
      %div3A_164 = arith.divsi %scan3A_162, %jit3A_163 : i32
      %sign3A_165 = arith.constant 0 : i32
      %sign3A_166 = arith.cmpi sgt, %scan3A_162, %sign3A_165 : i32
      %sign3A_167 = arith.extui %sign3A_166 : i1 to i32
      %sign3A_168 = arith.constant 0 : i32
      %sign3A_169 = arith.cmpi slt, %scan3A_162, %sign3A_168 : i32
      %sign3A_170 = arith.extui %sign3A_169 : i1 to i32
      %sign3A_171 = arith.subi %sign3A_167, %sign3A_170 : i32
      %sign3A_172 = arith.constant 0 : i32
      %sign3A_173 = arith.cmpi sgt, %jit3A_163, %sign3A_172 : i32
      %sign3A_174 = arith.extui %sign3A_173 : i1 to i32
      %sign3A_175 = arith.constant 0 : i32
      %sign3A_176 = arith.cmpi slt, %jit3A_163, %sign3A_175 : i32
      %sign3A_177 = arith.extui %sign3A_176 : i1 to i32
      %sign3A_178 = arith.subi %sign3A_174, %sign3A_177 : i32
      %ne3A_179 = arith.cmpi ne, %sign3A_171, %sign3A_178 : i32
      %rem3A_180 = arith.remsi %scan3A_162, %jit3A_163 : i32
      %ne3A_181 = arith.constant 0 : i32
      %ne3A_182 = arith.cmpi ne, %rem3A_180, %ne3A_181 : i32
      %and3A_183 = arith.andi %ne3A_179, %ne3A_182 : i1
      %sub3A_184 = arith.constant 1 : i32
      %sub3A_185 = arith.subi %div3A_164, %sub3A_184 : i32
      %select_n3A_186 = arith.select %and3A_183, %sub3A_185, %div3A_164 : i32
      %jit3A_187 = arith.constant 32 : i32
      %eq3A_188 = arith.constant 0 : i32
      %eq3A_189 = arith.cmpi eq, %jit3A_187, %eq3A_188 : i32
      %jit3A_190 = arith.constant 1 : i32
      %select_n3A_191 = arith.select %eq3A_189, %jit3A_190, %jit3A_187 : i32
      %rem3A_192 = arith.remsi %scan3A_162, %select_n3A_191 : i32
      %ne3A_193 = arith.constant 0 : i32
      %ne3A_194 = arith.cmpi ne, %rem3A_192, %ne3A_193 : i32
      %lt3A_195 = arith.constant 0 : i32
      %lt3A_196 = arith.cmpi slt, %rem3A_192, %lt3A_195 : i32
      %lt3A_197 = arith.constant 0 : i32
      %lt3A_198 = arith.cmpi slt, %select_n3A_191, %lt3A_197 : i32
      %ne3A_199 = arith.xori %lt3A_196, %lt3A_198 : i1
      %and3A_200 = arith.andi %ne3A_199, %ne3A_194 : i1
      %add3A_201 = arith.addi %rem3A_192, %select_n3A_191 : i32
      %select_n3A_202 = arith.select %and3A_200, %add3A_201, %rem3A_192 : i32
      %add3A_203 = arith.constant 12 : i32
      %add3A_204 = arith.addi %add3A_203, %select_n3A_186 : i32
      %mul3A_205 = arith.constant 16 : i32
      %mul3A_206 = arith.muli %select_n3A_202, %mul3A_205 : i32
      %get3A_207 = arith.index_cast %mul3A_206 : i32 to index
      %get3A_208 = tpu.vector_load %arg16[%get3A_207] {strides = array<i32>} : memref<512xi32, #tpu.memory_space<vmem>>, vector<16xi32>,
      %mul3A_209 = arith.constant 32 : i32
      %mul3A_210 = arith.muli %select_n3A_186, %mul3A_209 : i32
      %jit3A_211 = arith.constant 128 : i32
      %div3A_212 = vector.broadcast %jit3A_211 : i32 to vector<16xi32>
      %div3A_213 = arith.divsi %get3A_208, %div3A_212 : vector<16xi32>
      %sign3A_214 = arith.constant 0 : i32
      %sign3A_215 = vector.broadcast %sign3A_214 : i32 to vector<16xi32>
      %sign3A_216 = arith.cmpi sgt, %get3A_208, %sign3A_215 : vector<16xi32>
      %sign3A_217 = arith.extui %sign3A_216 : vector<16xi1> to vector<16xi32>
      %sign3A_218 = arith.constant 0 : i32
      %sign3A_219 = vector.broadcast %sign3A_218 : i32 to vector<16xi32>
      %sign3A_220 = arith.cmpi slt, %get3A_208, %sign3A_219 : vector<16xi32>
      %sign3A_221 = arith.extui %sign3A_220 : vector<16xi1> to vector<16xi32>
      %sign3A_222 = arith.subi %sign3A_217, %sign3A_221 : vector<16xi32>
      %sign3A_223 = arith.constant 0 : i32
      %sign3A_224 = arith.cmpi sgt, %jit3A_211, %sign3A_223 : i32
      %sign3A_225 = arith.extui %sign3A_224 : i1 to i32
      %sign3A_226 = arith.constant 0 : i32
      %sign3A_227 = arith.cmpi slt, %jit3A_211, %sign3A_226 : i32
      %sign3A_228 = arith.extui %sign3A_227 : i1 to i32
      %sign3A_229 = arith.subi %sign3A_225, %sign3A_228 : i32
      %ne3A_230 = vector.broadcast %sign3A_229 : i32 to vector<16xi32>
      %ne3A_231 = arith.cmpi ne, %sign3A_222, %ne3A_230 : vector<16xi32>
      %rem3A_232 = vector.broadcast %jit3A_211 : i32 to vector<16xi32>
      %rem3A_233 = arith.remsi %get3A_208, %rem3A_232 : vector<16xi32>
      %ne3A_234 = arith.constant 0 : i32
      %ne3A_235 = vector.broadcast %ne3A_234 : i32 to vector<16xi32>
      %ne3A_236 = arith.cmpi ne, %rem3A_233, %ne3A_235 : vector<16xi32>
      %and3A_237 = arith.andi %ne3A_231, %ne3A_236 : vector<16xi1>
      %sub3A_238 = arith.constant 1 : i32
      %sub3A_239 = vector.broadcast %sub3A_238 : i32 to vector<16xi32>
      %sub3A_240 = arith.subi %div3A_213, %sub3A_239 : vector<16xi32>
      %select_n3A_241 = arith.select %and3A_237, %sub3A_240, %div3A_213 : vector<16xi1>, vector<16xi32>
      %add3A_242 = vector.broadcast %mul3A_210 : i32 to vector<16xi32>
      %add3A_243 = arith.addi %add3A_242, %select_n3A_241 : vector<16xi32>
      %jit3A_244 = arith.constant 128 : i32
      %eq3A_245 = arith.constant 0 : i32
      %eq3A_246 = arith.cmpi eq, %jit3A_244, %eq3A_245 : i32
      %jit3A_247 = arith.constant 1 : i32
      %select_n3A_248 = arith.select %eq3A_246, %jit3A_247, %jit3A_244 : i32
      %rem3A_249 = vector.broadcast %select_n3A_248 : i32 to vector<16xi32>
      %rem3A_250 = arith.remsi %get3A_208, %rem3A_249 : vector<16xi32>
      %ne3A_251 = arith.constant 0 : i32
      %ne3A_252 = vector.broadcast %ne3A_251 : i32 to vector<16xi32>
      %ne3A_253 = arith.cmpi ne, %rem3A_250, %ne3A_252 : vector<16xi32>
      %lt3A_254 = arith.constant 0 : i32
      %lt3A_255 = vector.broadcast %lt3A_254 : i32 to vector<16xi32>
      %lt3A_256 = arith.cmpi slt, %rem3A_250, %lt3A_255 : vector<16xi32>
      %lt3A_257 = arith.constant 0 : i32
      %lt3A_258 = arith.cmpi slt, %select_n3A_248, %lt3A_257 : i32
      %ne3A_259 = vector.broadcast %lt3A_258 : i1 to vector<16xi1>
      %ne3A_260 = vector.broadcast %ne3A_259 : vector<16xi1> to vector<16xi1>
      %ne3A_261 = arith.xori %lt3A_256, %ne3A_260 : vector<16xi1>
      %and3A_262 = arith.andi %ne3A_261, %ne3A_253 : vector<16xi1>
      %add3A_263 = vector.broadcast %select_n3A_248 : i32 to vector<16xi32>
      %add3A_264 = arith.addi %rem3A_250, %add3A_263 : vector<16xi32>
      %select_n3A_265 = arith.select %and3A_262, %add3A_264, %rem3A_250 : vector<16xi1>, vector<16xi32>
      %gather3A = tpu.vector_load_idx %arg14[%add3A_243, %select_n3A_265] : memref<128x128xf32, #tpu.memory_space<vmem>>[vector<16xi32>, vector<16xi32>], vector<16xf32>,
      %jit3A_266 = arith.constant 8 : i32
      %div3A_267 = arith.divsi %add3A_204, %jit3A_266 : i32
      %sign3A_268 = arith.constant 0 : i32
      %sign3A_269 = arith.cmpi sgt, %add3A_204, %sign3A_268 : i32
      %sign3A_270 = arith.extui %sign3A_269 : i1 to i32
      %sign3A_271 = arith.constant 0 : i32
      %sign3A_272 = arith.cmpi slt, %add3A_204, %sign3A_271 : i32
      %sign3A_273 = arith.extui %sign3A_272 : i1 to i32
      %sign3A_274 = arith.subi %sign3A_270, %sign3A_273 : i32
      %sign3A_275 = arith.constant 0 : i32
      %sign3A_276 = arith.cmpi sgt, %jit3A_266, %sign3A_275 : i32
      %sign3A_277 = arith.extui %sign3A_276 : i1 to i32
      %sign3A_278 = arith.constant 0 : i32
      %sign3A_279 = arith.cmpi slt, %jit3A_266, %sign3A_278 : i32
      %sign3A_280 = arith.extui %sign3A_279 : i1 to i32
      %sign3A_281 = arith.subi %sign3A_277, %sign3A_280 : i32
      %ne3A_282 = arith.cmpi ne, %sign3A_274, %sign3A_281 : i32
      %rem3A_283 = arith.remsi %add3A_204, %jit3A_266 : i32
      %ne3A_284 = arith.constant 0 : i32
      %ne3A_285 = arith.cmpi ne, %rem3A_283, %ne3A_284 : i32
      %and3A_286 = arith.andi %ne3A_282, %ne3A_285 : i1
      %sub3A_287 = arith.constant 1 : i32
      %sub3A_288 = arith.subi %div3A_267, %sub3A_287 : i32
      %select_n3A_289 = arith.select %and3A_286, %sub3A_288, %div3A_267 : i32
      %mul3A_290 = arith.constant 32 : i32
      %mul3A_291 = arith.muli %select_n3A_289, %mul3A_290 : i32
      %jit3A_292 = arith.constant 8 : i32
      %div3A_293 = arith.divsi %select_n3A_202, %jit3A_292 : i32
      %sign3A_294 = arith.constant 0 : i32
      %sign3A_295 = arith.cmpi sgt, %select_n3A_202, %sign3A_294 : i32
      %sign3A_296 = arith.extui %sign3A_295 : i1 to i32
      %sign3A_297 = arith.constant 0 : i32
      %sign3A_298 = arith.cmpi slt, %select_n3A_202, %sign3A_297 : i32
      %sign3A_299 = arith.extui %sign3A_298 : i1 to i32
      %sign3A_300 = arith.subi %sign3A_296, %sign3A_299 : i32
      %sign3A_301 = arith.constant 0 : i32
      %sign3A_302 = arith.cmpi sgt, %jit3A_292, %sign3A_301 : i32
      %sign3A_303 = arith.extui %sign3A_302 : i1 to i32
      %sign3A_304 = arith.constant 0 : i32
      %sign3A_305 = arith.cmpi slt, %jit3A_292, %sign3A_304 : i32
      %sign3A_306 = arith.extui %sign3A_305 : i1 to i32
      %sign3A_307 = arith.subi %sign3A_303, %sign3A_306 : i32
      %ne3A_308 = arith.cmpi ne, %sign3A_300, %sign3A_307 : i32
      %rem3A_309 = arith.remsi %select_n3A_202, %jit3A_292 : i32
      %ne3A_310 = arith.constant 0 : i32
      %ne3A_311 = arith.cmpi ne, %rem3A_309, %ne3A_310 : i32
      %and3A_312 = arith.andi %ne3A_308, %ne3A_311 : i1
      %sub3A_313 = arith.constant 1 : i32
      %sub3A_314 = arith.subi %div3A_293, %sub3A_313 : i32
      %select_n3A_315 = arith.select %and3A_312, %sub3A_314, %div3A_293 : i32
      %mul3A_316 = arith.constant 8 : i32
      %mul3A_317 = arith.muli %select_n3A_315, %mul3A_316 : i32
      %add3A_318 = arith.addi %mul3A_291, %mul3A_317 : i32
      %jit3A_319 = arith.constant 8 : i32
      %eq3A_320 = arith.constant 0 : i32
      %eq3A_321 = arith.cmpi eq, %jit3A_319, %eq3A_320 : i32
      %jit3A_322 = arith.constant 1 : i32
      %select_n3A_323 = arith.select %eq3A_321, %jit3A_322, %jit3A_319 : i32
      %rem3A_324 = arith.remsi %add3A_204, %select_n3A_323 : i32
      %ne3A_325 = arith.constant 0 : i32
      %ne3A_326 = arith.cmpi ne, %rem3A_324, %ne3A_325 : i32
      %lt3A_327 = arith.constant 0 : i32
      %lt3A_328 = arith.cmpi slt, %rem3A_324, %lt3A_327 : i32
      %lt3A_329 = arith.constant 0 : i32
      %lt3A_330 = arith.cmpi slt, %select_n3A_323, %lt3A_329 : i32
      %ne3A_331 = arith.xori %lt3A_328, %lt3A_330 : i1
      %and3A_332 = arith.andi %ne3A_331, %ne3A_326 : i1
      %add3A_333 = arith.addi %rem3A_324, %select_n3A_323 : i32
      %select_n3A_334 = arith.select %and3A_332, %add3A_333, %rem3A_324 : i32
      %add3A_335 = arith.addi %add3A_318, %select_n3A_334 : i32
      %broadcast_in_dim3A_336 = vector.broadcast %add3A_335 : i32 to vector<16xi32>
      %jit3A_337 = arith.constant 8 : i32
      %eq3A_338 = arith.constant 0 : i32
      %eq3A_339 = arith.cmpi eq, %jit3A_337, %eq3A_338 : i32
      %jit3A_340 = arith.constant 1 : i32
      %select_n3A_341 = arith.select %eq3A_339, %jit3A_340, %jit3A_337 : i32
      %rem3A_342 = arith.remsi %select_n3A_202, %select_n3A_341 : i32
      %ne3A_343 = arith.constant 0 : i32
      %ne3A_344 = arith.cmpi ne, %rem3A_342, %ne3A_343 : i32
      %lt3A_345 = arith.constant 0 : i32
      %lt3A_346 = arith.cmpi slt, %rem3A_342, %lt3A_345 : i32
      %lt3A_347 = arith.constant 0 : i32
      %lt3A_348 = arith.cmpi slt, %select_n3A_341, %lt3A_347 : i32
      %ne3A_349 = arith.xori %lt3A_346, %lt3A_348 : i1
      %and3A_350 = arith.andi %ne3A_349, %ne3A_344 : i1
      %add3A_351 = arith.addi %rem3A_342, %select_n3A_341 : i32
      %select_n3A_352 = arith.select %and3A_350, %add3A_351, %rem3A_342 : i32
      %mul3A_353 = arith.constant 16 : i32
      %mul3A_354 = arith.muli %select_n3A_352, %mul3A_353 : i32
      %add3A_355 = vector.broadcast %mul3A_354 : i32 to vector<16xi32>
      %add3A_356 = arith.addi %add3A_355, %iota3A : vector<16xi32>
      tpu.vector_store_idx %arg15[%broadcast_in_dim3A_336, %add3A_356], %gather3A : memref<64x128xf32, #tpu.memory_space<vmem>>[vector<16xi32>, vector<16xi32>], vector<16xf32>,
    }
    %scan3A_137 = arith.constant 128 : i32
    %mul3A_138 = arith.constant 64 : i32
    %mul3A_139 = arith.muli %add3A, %mul3A_138 : i32
    "tpu.region"() ({
      %run_scoped3A = tpu.sem_alloc : memref<!tpu.dma_semaphore, #tpu.memory_space<semaphore_mem>>
      %dma_start3A_162 = arith.constant 0 : i32
      %dma_start3A_163 = tpu.memref_slice %arg9[%mul3A_139, %dma_start3A_162] : memref<2048x128xf32, #tpu.memory_space<hbm>> -> memref<64x128xf32, #tpu.memory_space<hbm>>
      %dma_start3A_164 = arith.constant 0 : i32
      %dma_start3A_165 = tpu.memref_slice %arg9[%mul3A_139, %dma_start3A_164] : memref<2048x128xf32, #tpu.memory_space<hbm>> -> memref<64x128xf32, #tpu.memory_space<hbm>>
      tpu.enqueue_dma source(%arg15 : memref<64x128xf32, #tpu.memory_space<vmem>>) target(%dma_start3A_165 : memref<64x128xf32, #tpu.memory_space<hbm>>) target_semaphore(%run_scoped3A : memref<!tpu.dma_semaphore, #tpu.memory_space<semaphore_mem>>)
      %dma_wait3A_166 = arith.constant 0 : i32
      %dma_wait3A_167 = tpu.memref_slice %arg9[%mul3A_139, %dma_wait3A_166] : memref<2048x128xf32, #tpu.memory_space<hbm>> -> memref<64x128xf32, #tpu.memory_space<hbm>>
      %dma_wait3A_168 = arith.constant 0 : i32
      %dma_wait3A_169 = tpu.memref_slice %arg9[%mul3A_139, %dma_wait3A_168] : memref<2048x128xf32, #tpu.memory_space<hbm>> -> memref<64x128xf32, #tpu.memory_space<hbm>>
      tpu.wait_dma2 semaphore(%run_scoped3A : memref<!tpu.dma_semaphore, #tpu.memory_space<semaphore_mem>>) src(%arg15 : memref<64x128xf32, #tpu.memory_space<vmem>>) dst(%dma_wait3A_169 : memref<64x128xf32, #tpu.memory_space<hbm>>)
      tpu.yield
    }) : () -> ()
    %scan3A_140 = arith.constant 0 : i32
    %scan3A_141 = arith.constant 0 : i32
    %scan3A_142 = arith.constant 512 : i32
    %scan3A_143 = arith.addi %scan3A_141, %scan3A_142 : i32
    %scan3A_144 = arith.constant 1 : i32
    scf.for %scan3A_162 = %scan3A_141 to %scan3A_143 step %scan3A_144  : i32 {
      %jit3A_163 = arith.constant 8 : i32
      %div3A_164 = arith.divsi %scan3A_162, %jit3A_163 : i32
      %sign3A_165 = arith.constant 0 : i32
      %sign3A_166 = arith.cmpi sgt, %scan3A_162, %sign3A_165 : i32
      %sign3A_167 = arith.extui %sign3A_166 : i1 to i32
      %sign3A_168 = arith.constant 0 : i32
      %sign3A_169 = arith.cmpi slt, %scan3A_162, %sign3A_168 : i32
      %sign3A_170 = arith.extui %sign3A_169 : i1 to i32
      %sign3A_171 = arith.subi %sign3A_167, %sign3A_170 : i32
      %sign3A_172 = arith.constant 0 : i32
      %sign3A_173 = arith.cmpi sgt, %jit3A_163, %sign3A_172 : i32
      %sign3A_174 = arith.extui %sign3A_173 : i1 to i32
      %sign3A_175 = arith.constant 0 : i32
      %sign3A_176 = arith.cmpi slt, %jit3A_163, %sign3A_175 : i32
      %sign3A_177 = arith.extui %sign3A_176 : i1 to i32
      %sign3A_178 = arith.subi %sign3A_174, %sign3A_177 : i32
      %ne3A_179 = arith.cmpi ne, %sign3A_171, %sign3A_178 : i32
      %rem3A_180 = arith.remsi %scan3A_162, %jit3A_163 : i32
      %ne3A_181 = arith.constant 0 : i32
      %ne3A_182 = arith.cmpi ne, %rem3A_180, %ne3A_181 : i32
      %and3A_183 = arith.andi %ne3A_179, %ne3A_182 : i1
      %sub3A_184 = arith.constant 1 : i32
      %sub3A_185 = arith.subi %div3A_164, %sub3A_184 : i32
      %select_n3A_186 = arith.select %and3A_183, %sub3A_185, %div3A_164 : i32
      %broadcast_in_dim3A_187 = vector.broadcast %select_n3A_186 : i32 to vector<16xi32>
      %jit3A_188 = arith.constant 8 : i32
      %eq3A_189 = arith.constant 0 : i32
      %eq3A_190 = arith.cmpi eq, %jit3A_188, %eq3A_189 : i32
      %jit3A_191 = arith.constant 1 : i32
      %select_n3A_192 = arith.select %eq3A_190, %jit3A_191, %jit3A_188 : i32
      %rem3A_193 = arith.remsi %scan3A_162, %select_n3A_192 : i32
      %ne3A_194 = arith.constant 0 : i32
      %ne3A_195 = arith.cmpi ne, %rem3A_193, %ne3A_194 : i32
      %lt3A_196 = arith.constant 0 : i32
      %lt3A_197 = arith.cmpi slt, %rem3A_193, %lt3A_196 : i32
      %lt3A_198 = arith.constant 0 : i32
      %lt3A_199 = arith.cmpi slt, %select_n3A_192, %lt3A_198 : i32
      %ne3A_200 = arith.xori %lt3A_197, %lt3A_199 : i1
      %and3A_201 = arith.andi %ne3A_200, %ne3A_195 : i1
      %add3A_202 = arith.addi %rem3A_193, %select_n3A_192 : i32
      %select_n3A_203 = arith.select %and3A_201, %add3A_202, %rem3A_193 : i32
      %mul3A_204 = arith.constant 16 : i32
      %mul3A_205 = arith.muli %select_n3A_203, %mul3A_204 : i32
      %add3A_206 = vector.broadcast %mul3A_205 : i32 to vector<16xi32>
      %add3A_207 = arith.addi %add3A_206, %iota3A : vector<16xi32>
      tpu.vector_store_idx %arg10[%broadcast_in_dim3A_187, %add3A_207], %broadcast_in_dim3A_5 : memref<64x128xf32, #tpu.memory_space<vmem>>[vector<16xi32>, vector<16xi32>], vector<16xf32>,
      tpu.vector_store_idx %arg11[%broadcast_in_dim3A_187, %add3A_207], %broadcast_in_dim3A_5 : memref<64x128xf32, #tpu.memory_space<vmem>>[vector<16xi32>, vector<16xi32>], vector<16xf32>,
    }
    %scan3A_145 = arith.constant 512 : i32
    %scan3A_146 = arith.constant 0 : i32
    %scan3A_147 = arith.constant 0 : i32
    %scan3A_148 = arith.constant 128 : i32
    %scan3A_149 = arith.addi %scan3A_147, %scan3A_148 : i32
    %scan3A_150 = arith.constant 1 : i32
    scf.for %scan3A_162 = %scan3A_147 to %scan3A_149 step %scan3A_150  : i32 {
      %jit3A_163 = arith.constant 8 : i32
      %div3A_164 = arith.divsi %scan3A_162, %jit3A_163 : i32
      %sign3A_165 = arith.constant 0 : i32
      %sign3A_166 = arith.cmpi sgt, %scan3A_162, %sign3A_165 : i32
      %sign3A_167 = arith.extui %sign3A_166 : i1 to i32
      %sign3A_168 = arith.constant 0 : i32
      %sign3A_169 = arith.cmpi slt, %scan3A_162, %sign3A_168 : i32
      %sign3A_170 = arith.extui %sign3A_169 : i1 to i32
      %sign3A_171 = arith.subi %sign3A_167, %sign3A_170 : i32
      %sign3A_172 = arith.constant 0 : i32
      %sign3A_173 = arith.cmpi sgt, %jit3A_163, %sign3A_172 : i32
      %sign3A_174 = arith.extui %sign3A_173 : i1 to i32
      %sign3A_175 = arith.constant 0 : i32
      %sign3A_176 = arith.cmpi slt, %jit3A_163, %sign3A_175 : i32
      %sign3A_177 = arith.extui %sign3A_176 : i1 to i32
      %sign3A_178 = arith.subi %sign3A_174, %sign3A_177 : i32
      %ne3A_179 = arith.cmpi ne, %sign3A_171, %sign3A_178 : i32
      %rem3A_180 = arith.remsi %scan3A_162, %jit3A_163 : i32
      %ne3A_181 = arith.constant 0 : i32
      %ne3A_182 = arith.cmpi ne, %rem3A_180, %ne3A_181 : i32
      %and3A_183 = arith.andi %ne3A_179, %ne3A_182 : i1
      %sub3A_184 = arith.constant 1 : i32
      %sub3A_185 = arith.subi %div3A_164, %sub3A_184 : i32
      %select_n3A_186 = arith.select %and3A_183, %sub3A_185, %div3A_164 : i32
      %jit3A_187 = arith.constant 8 : i32
      %eq3A_188 = arith.constant 0 : i32
      %eq3A_189 = arith.cmpi eq, %jit3A_187, %eq3A_188 : i32
      %jit3A_190 = arith.constant 1 : i32
      %select_n3A_191 = arith.select %eq3A_189, %jit3A_190, %jit3A_187 : i32
      %rem3A_192 = arith.remsi %scan3A_162, %select_n3A_191 : i32
      %ne3A_193 = arith.constant 0 : i32
      %ne3A_194 = arith.cmpi ne, %rem3A_192, %ne3A_193 : i32
      %lt3A_195 = arith.constant 0 : i32
      %lt3A_196 = arith.cmpi slt, %rem3A_192, %lt3A_195 : i32
      %lt3A_197 = arith.constant 0 : i32
      %lt3A_198 = arith.cmpi slt, %select_n3A_191, %lt3A_197 : i32
      %ne3A_199 = arith.xori %lt3A_196, %lt3A_198 : i1
      %and3A_200 = arith.andi %ne3A_199, %ne3A_194 : i1
      %add3A_201 = arith.addi %rem3A_192, %select_n3A_191 : i32
      %select_n3A_202 = arith.select %and3A_200, %add3A_201, %rem3A_192 : i32
      %mul3A_203 = arith.constant 16 : i32
      %mul3A_204 = arith.muli %select_n3A_202, %mul3A_203 : i32
      %get3A_205 = arith.constant 0 : i32
      %get3A_206 = arith.index_cast %select_n3A_186 : i32 to index
      %get3A_207 = arith.index_cast %get3A_205 : i32 to index
      %get3A_208 = arith.index_cast %mul3A_204 : i32 to index
      %get3A_209 = tpu.vector_load %arg12[%get3A_206, %get3A_207, %get3A_208] {strides = array<i32>} : memref<16x2x128xi32, #tpu.memory_space<vmem>>, vector<16xi32>,
      %mul3A_210 = arith.constant 16 : i32
      %mul3A_211 = arith.muli %select_n3A_202, %mul3A_210 : i32
      %get3A_212 = arith.constant 1 : i32
      %get3A_213 = arith.index_cast %select_n3A_186 : i32 to index
      %get3A_214 = arith.index_cast %get3A_212 : i32 to index
      %get3A_215 = arith.index_cast %mul3A_211 : i32 to index
      %get3A_216 = tpu.vector_load %arg12[%get3A_213, %get3A_214, %get3A_215] {strides = array<i32>} : memref<16x2x128xi32, #tpu.memory_space<vmem>>, vector<16xi32>,
      %sub3A_217 = vector.broadcast %mul3A_2 : i32 to vector<16xi32>
      %sub3A_218 = arith.subi %get3A_209, %sub3A_217 : vector<16xi32>
      %ge3A = arith.constant 0 : i32
      %ge3A_219 = vector.broadcast %ge3A : i32 to vector<16xi32>
      %ge3A_220 = arith.cmpi sge, %sub3A_218, %ge3A_219 : vector<16xi32>
      %lt3A_221 = arith.constant 16 : i32
      %lt3A_222 = vector.broadcast %lt3A_221 : i32 to vector<16xi32>
      %lt3A_223 = arith.cmpi slt, %sub3A_218, %lt3A_222 : vector<16xi32>
      %and3A_224 = arith.andi %ge3A_220, %lt3A_223 : vector<16xi1>
      %jit3A_225 = arith.constant 0 : i32
      %broadcast_in_dim3A_226 = vector.broadcast %jit3A_225 : i32 to vector<16xi32>
      %select_n3A_227 = arith.select %and3A_224, %sub3A_218, %broadcast_in_dim3A_226 : vector<16xi1>, vector<16xi32>
      %jit3A_228 = arith.constant 0 : i32
      %broadcast_in_dim3A_229 = vector.broadcast %jit3A_228 : i32 to vector<16xi32>
      %select_n3A_230 = arith.select %and3A_224, %get3A_216, %broadcast_in_dim3A_229 : vector<16xi1>, vector<16xi32>
      %jit3A_231 = arith.constant 8 : i32
      %div3A_232 = vector.broadcast %jit3A_231 : i32 to vector<16xi32>
      %div3A_233 = arith.divsi %select_n3A_227, %div3A_232 : vector<16xi32>
      %sign3A_234 = arith.constant 0 : i32
      %sign3A_235 = vector.broadcast %sign3A_234 : i32 to vector<16xi32>
      %sign3A_236 = arith.cmpi sgt, %select_n3A_227, %sign3A_235 : vector<16xi32>
      %sign3A_237 = arith.extui %sign3A_236 : vector<16xi1> to vector<16xi32>
      %sign3A_238 = arith.constant 0 : i32
      %sign3A_239 = vector.broadcast %sign3A_238 : i32 to vector<16xi32>
      %sign3A_240 = arith.cmpi slt, %select_n3A_227, %sign3A_239 : vector<16xi32>
      %sign3A_241 = arith.extui %sign3A_240 : vector<16xi1> to vector<16xi32>
      %sign3A_242 = arith.subi %sign3A_237, %sign3A_241 : vector<16xi32>
      %sign3A_243 = arith.constant 0 : i32
      %sign3A_244 = arith.cmpi sgt, %jit3A_231, %sign3A_243 : i32
      %sign3A_245 = arith.extui %sign3A_244 : i1 to i32
      %sign3A_246 = arith.constant 0 : i32
      %sign3A_247 = arith.cmpi slt, %jit3A_231, %sign3A_246 : i32
      %sign3A_248 = arith.extui %sign3A_247 : i1 to i32
      %sign3A_249 = arith.subi %sign3A_245, %sign3A_248 : i32
      %ne3A_250 = vector.broadcast %sign3A_249 : i32 to vector<16xi32>
      %ne3A_251 = arith.cmpi ne, %sign3A_242, %ne3A_250 : vector<16xi32>
      %rem3A_252 = vector.broadcast %jit3A_231 : i32 to vector<16xi32>
      %rem3A_253 = arith.remsi %select_n3A_227, %rem3A_252 : vector<16xi32>
      %ne3A_254 = arith.constant 0 : i32
      %ne3A_255 = vector.broadcast %ne3A_254 : i32 to vector<16xi32>
      %ne3A_256 = arith.cmpi ne, %rem3A_253, %ne3A_255 : vector<16xi32>
      %and3A_257 = arith.andi %ne3A_251, %ne3A_256 : vector<16xi1>
      %sub3A_258 = arith.constant 1 : i32
      %sub3A_259 = vector.broadcast %sub3A_258 : i32 to vector<16xi32>
      %sub3A_260 = arith.subi %div3A_233, %sub3A_259 : vector<16xi32>
      %select_n3A_261 = arith.select %and3A_257, %sub3A_260, %div3A_233 : vector<16xi1>, vector<16xi32>
      %mul3A_262 = arith.constant 32 : i32
      %mul3A_263 = vector.broadcast %mul3A_262 : i32 to vector<16xi32>
      %mul3A_264 = arith.muli %select_n3A_261, %mul3A_263 : vector<16xi32>
      %jit3A_265 = arith.constant 128 : i32
      %div3A_266 = vector.broadcast %jit3A_265 : i32 to vector<16xi32>
      %div3A_267 = arith.divsi %select_n3A_230, %div3A_266 : vector<16xi32>
      %sign3A_268 = arith.constant 0 : i32
      %sign3A_269 = vector.broadcast %sign3A_268 : i32 to vector<16xi32>
      %sign3A_270 = arith.cmpi sgt, %select_n3A_230, %sign3A_269 : vector<16xi32>
      %sign3A_271 = arith.extui %sign3A_270 : vector<16xi1> to vector<16xi32>
      %sign3A_272 = arith.constant 0 : i32
      %sign3A_273 = vector.broadcast %sign3A_272 : i32 to vector<16xi32>
      %sign3A_274 = arith.cmpi slt, %select_n3A_230, %sign3A_273 : vector<16xi32>
      %sign3A_275 = arith.extui %sign3A_274 : vector<16xi1> to vector<16xi32>
      %sign3A_276 = arith.subi %sign3A_271, %sign3A_275 : vector<16xi32>
      %sign3A_277 = arith.constant 0 : i32
      %sign3A_278 = arith.cmpi sgt, %jit3A_265, %sign3A_277 : i32
      %sign3A_279 = arith.extui %sign3A_278 : i1 to i32
      %sign3A_280 = arith.constant 0 : i32
      %sign3A_281 = arith.cmpi slt, %jit3A_265, %sign3A_280 : i32
      %sign3A_282 = arith.extui %sign3A_281 : i1 to i32
      %sign3A_283 = arith.subi %sign3A_279, %sign3A_282 : i32
      %ne3A_284 = vector.broadcast %sign3A_283 : i32 to vector<16xi32>
      %ne3A_285 = arith.cmpi ne, %sign3A_276, %ne3A_284 : vector<16xi32>
      %rem3A_286 = vector.broadcast %jit3A_265 : i32 to vector<16xi32>
      %rem3A_287 = arith.remsi %select_n3A_230, %rem3A_286 : vector<16xi32>
      %ne3A_288 = arith.constant 0 : i32
      %ne3A_289 = vector.broadcast %ne3A_288 : i32 to vector<16xi32>
      %ne3A_290 = arith.cmpi ne, %rem3A_287, %ne3A_289 : vector<16xi32>
      %and3A_291 = arith.andi %ne3A_285, %ne3A_290 : vector<16xi1>
      %sub3A_292 = arith.constant 1 : i32
      %sub3A_293 = vector.broadcast %sub3A_292 : i32 to vector<16xi32>
      %sub3A_294 = arith.subi %div3A_267, %sub3A_293 : vector<16xi32>
      %select_n3A_295 = arith.select %and3A_291, %sub3A_294, %div3A_267 : vector<16xi1>, vector<16xi32>
      %mul3A_296 = arith.constant 8 : i32
      %mul3A_297 = vector.broadcast %mul3A_296 : i32 to vector<16xi32>
      %mul3A_298 = arith.muli %select_n3A_295, %mul3A_297 : vector<16xi32>
      %add3A_299 = arith.addi %mul3A_264, %mul3A_298 : vector<16xi32>
      %jit3A_300 = arith.constant 8 : i32
      %eq3A_301 = arith.constant 0 : i32
      %eq3A_302 = arith.cmpi eq, %jit3A_300, %eq3A_301 : i32
      %jit3A_303 = arith.constant 1 : i32
      %select_n3A_304 = arith.select %eq3A_302, %jit3A_303, %jit3A_300 : i32
      %rem3A_305 = vector.broadcast %select_n3A_304 : i32 to vector<16xi32>
      %rem3A_306 = arith.remsi %select_n3A_227, %rem3A_305 : vector<16xi32>
      %ne3A_307 = arith.constant 0 : i32
      %ne3A_308 = vector.broadcast %ne3A_307 : i32 to vector<16xi32>
      %ne3A_309 = arith.cmpi ne, %rem3A_306, %ne3A_308 : vector<16xi32>
      %lt3A_310 = arith.constant 0 : i32
      %lt3A_311 = vector.broadcast %lt3A_310 : i32 to vector<16xi32>
      %lt3A_312 = arith.cmpi slt, %rem3A_306, %lt3A_311 : vector<16xi32>
      %lt3A_313 = arith.constant 0 : i32
      %lt3A_314 = arith.cmpi slt, %select_n3A_304, %lt3A_313 : i32
      %ne3A_315 = vector.broadcast %lt3A_314 : i1 to vector<16xi1>
      %ne3A_316 = vector.broadcast %ne3A_315 : vector<16xi1> to vector<16xi1>
      %ne3A_317 = arith.xori %lt3A_312, %ne3A_316 : vector<16xi1>
      %and3A_318 = arith.andi %ne3A_317, %ne3A_309 : vector<16xi1>
      %add3A_319 = vector.broadcast %select_n3A_304 : i32 to vector<16xi32>
      %add3A_320 = arith.addi %rem3A_306, %add3A_319 : vector<16xi32>
      %select_n3A_321 = arith.select %and3A_318, %add3A_320, %rem3A_306 : vector<16xi1>, vector<16xi32>
      %add3A_322 = arith.addi %add3A_299, %select_n3A_321 : vector<16xi32>
      %jit3A_323 = arith.constant 128 : i32
      %eq3A_324 = arith.constant 0 : i32
      %eq3A_325 = arith.cmpi eq, %jit3A_323, %eq3A_324 : i32
      %jit3A_326 = arith.constant 1 : i32
      %select_n3A_327 = arith.select %eq3A_325, %jit3A_326, %jit3A_323 : i32
      %rem3A_328 = vector.broadcast %select_n3A_327 : i32 to vector<16xi32>
      %rem3A_329 = arith.remsi %select_n3A_230, %rem3A_328 : vector<16xi32>
      %ne3A_330 = arith.constant 0 : i32
      %ne3A_331 = vector.broadcast %ne3A_330 : i32 to vector<16xi32>
      %ne3A_332 = arith.cmpi ne, %rem3A_329, %ne3A_331 : vector<16xi32>
      %lt3A_333 = arith.constant 0 : i32
      %lt3A_334 = vector.broadcast %lt3A_333 : i32 to vector<16xi32>
      %lt3A_335 = arith.cmpi slt, %rem3A_329, %lt3A_334 : vector<16xi32>
      %lt3A_336 = arith.constant 0 : i32
      %lt3A_337 = arith.cmpi slt, %select_n3A_327, %lt3A_336 : i32
      %ne3A_338 = vector.broadcast %lt3A_337 : i1 to vector<16xi1>
      %ne3A_339 = vector.broadcast %ne3A_338 : vector<16xi1> to vector<16xi1>
      %ne3A_340 = arith.xori %lt3A_335, %ne3A_339 : vector<16xi1>
      %and3A_341 = arith.andi %ne3A_340, %ne3A_332 : vector<16xi1>
      %add3A_342 = vector.broadcast %select_n3A_327 : i32 to vector<16xi32>
      %add3A_343 = arith.addi %rem3A_329, %add3A_342 : vector<16xi32>
      %select_n3A_344 = arith.select %and3A_341, %add3A_343, %rem3A_329 : vector<16xi1>, vector<16xi32>
      tpu.vector_store_idx %arg10[%add3A_322, %select_n3A_344], %broadcast_in_dim3A_3 masked %and3A_224 : memref<64x128xf32, #tpu.memory_space<vmem>>[vector<16xi32>, vector<16xi32>], vector<16xf32>, vector<16xi1>
    }
    %scan3A_151 = arith.constant 128 : i32
    %scan3A_152 = arith.constant 0 : i32
    %scan3A_153 = arith.constant 0 : i32
    %scan3A_154 = arith.constant 128 : i32
    %scan3A_155 = arith.addi %scan3A_153, %scan3A_154 : i32
    %scan3A_156 = arith.constant 1 : i32
    scf.for %scan3A_162 = %scan3A_153 to %scan3A_155 step %scan3A_156  : i32 {
      %jit3A_163 = arith.constant 8 : i32
      %div3A_164 = arith.divsi %scan3A_162, %jit3A_163 : i32
      %sign3A_165 = arith.constant 0 : i32
      %sign3A_166 = arith.cmpi sgt, %scan3A_162, %sign3A_165 : i32
      %sign3A_167 = arith.extui %sign3A_166 : i1 to i32
      %sign3A_168 = arith.constant 0 : i32
      %sign3A_169 = arith.cmpi slt, %scan3A_162, %sign3A_168 : i32
      %sign3A_170 = arith.extui %sign3A_169 : i1 to i32
      %sign3A_171 = arith.subi %sign3A_167, %sign3A_170 : i32
      %sign3A_172 = arith.constant 0 : i32
      %sign3A_173 = arith.cmpi sgt, %jit3A_163, %sign3A_172 : i32
      %sign3A_174 = arith.extui %sign3A_173 : i1 to i32
      %sign3A_175 = arith.constant 0 : i32
      %sign3A_176 = arith.cmpi slt, %jit3A_163, %sign3A_175 : i32
      %sign3A_177 = arith.extui %sign3A_176 : i1 to i32
      %sign3A_178 = arith.subi %sign3A_174, %sign3A_177 : i32
      %ne3A_179 = arith.cmpi ne, %sign3A_171, %sign3A_178 : i32
      %rem3A_180 = arith.remsi %scan3A_162, %jit3A_163 : i32
      %ne3A_181 = arith.constant 0 : i32
      %ne3A_182 = arith.cmpi ne, %rem3A_180, %ne3A_181 : i32
      %and3A_183 = arith.andi %ne3A_179, %ne3A_182 : i1
      %sub3A_184 = arith.constant 1 : i32
      %sub3A_185 = arith.subi %div3A_164, %sub3A_184 : i32
      %select_n3A_186 = arith.select %and3A_183, %sub3A_185, %div3A_164 : i32
      %jit3A_187 = arith.constant 8 : i32
      %eq3A_188 = arith.constant 0 : i32
      %eq3A_189 = arith.cmpi eq, %jit3A_187, %eq3A_188 : i32
      %jit3A_190 = arith.constant 1 : i32
      %select_n3A_191 = arith.select %eq3A_189, %jit3A_190, %jit3A_187 : i32
      %rem3A_192 = arith.remsi %scan3A_162, %select_n3A_191 : i32
      %ne3A_193 = arith.constant 0 : i32
      %ne3A_194 = arith.cmpi ne, %rem3A_192, %ne3A_193 : i32
      %lt3A_195 = arith.constant 0 : i32
      %lt3A_196 = arith.cmpi slt, %rem3A_192, %lt3A_195 : i32
      %lt3A_197 = arith.constant 0 : i32
      %lt3A_198 = arith.cmpi slt, %select_n3A_191, %lt3A_197 : i32
      %ne3A_199 = arith.xori %lt3A_196, %lt3A_198 : i1
      %and3A_200 = arith.andi %ne3A_199, %ne3A_194 : i1
      %add3A_201 = arith.addi %rem3A_192, %select_n3A_191 : i32
      %select_n3A_202 = arith.select %and3A_200, %add3A_201, %rem3A_192 : i32
      %mul3A_203 = arith.constant 16 : i32
      %mul3A_204 = arith.muli %select_n3A_202, %mul3A_203 : i32
      %get3A_205 = arith.constant 0 : i32
      %get3A_206 = arith.index_cast %select_n3A_186 : i32 to index
      %get3A_207 = arith.index_cast %get3A_205 : i32 to index
      %get3A_208 = arith.index_cast %mul3A_204 : i32 to index
      %get3A_209 = tpu.vector_load %arg13[%get3A_206, %get3A_207, %get3A_208] {strides = array<i32>} : memref<16x2x128xi32, #tpu.memory_space<vmem>>, vector<16xi32>,
      %mul3A_210 = arith.constant 16 : i32
      %mul3A_211 = arith.muli %select_n3A_202, %mul3A_210 : i32
      %get3A_212 = arith.constant 1 : i32
      %get3A_213 = arith.index_cast %select_n3A_186 : i32 to index
      %get3A_214 = arith.index_cast %get3A_212 : i32 to index
      %get3A_215 = arith.index_cast %mul3A_211 : i32 to index
      %get3A_216 = tpu.vector_load %arg13[%get3A_213, %get3A_214, %get3A_215] {strides = array<i32>} : memref<16x2x128xi32, #tpu.memory_space<vmem>>, vector<16xi32>,
      %sub3A_217 = vector.broadcast %mul3A_2 : i32 to vector<16xi32>
      %sub3A_218 = arith.subi %get3A_209, %sub3A_217 : vector<16xi32>
      %ge3A = arith.constant 0 : i32
      %ge3A_219 = vector.broadcast %ge3A : i32 to vector<16xi32>
      %ge3A_220 = arith.cmpi sge, %sub3A_218, %ge3A_219 : vector<16xi32>
      %lt3A_221 = arith.constant 16 : i32
      %lt3A_222 = vector.broadcast %lt3A_221 : i32 to vector<16xi32>
      %lt3A_223 = arith.cmpi slt, %sub3A_218, %lt3A_222 : vector<16xi32>
      %and3A_224 = arith.andi %ge3A_220, %lt3A_223 : vector<16xi1>
      %jit3A_225 = arith.constant 0 : i32
      %broadcast_in_dim3A_226 = vector.broadcast %jit3A_225 : i32 to vector<16xi32>
      %select_n3A_227 = arith.select %and3A_224, %sub3A_218, %broadcast_in_dim3A_226 : vector<16xi1>, vector<16xi32>
      %jit3A_228 = arith.constant 0 : i32
      %broadcast_in_dim3A_229 = vector.broadcast %jit3A_228 : i32 to vector<16xi32>
      %select_n3A_230 = arith.select %and3A_224, %get3A_216, %broadcast_in_dim3A_229 : vector<16xi1>, vector<16xi32>
      %jit3A_231 = arith.constant 8 : i32
      %div3A_232 = vector.broadcast %jit3A_231 : i32 to vector<16xi32>
      %div3A_233 = arith.divsi %select_n3A_227, %div3A_232 : vector<16xi32>
      %sign3A_234 = arith.constant 0 : i32
      %sign3A_235 = vector.broadcast %sign3A_234 : i32 to vector<16xi32>
      %sign3A_236 = arith.cmpi sgt, %select_n3A_227, %sign3A_235 : vector<16xi32>
      %sign3A_237 = arith.extui %sign3A_236 : vector<16xi1> to vector<16xi32>
      %sign3A_238 = arith.constant 0 : i32
      %sign3A_239 = vector.broadcast %sign3A_238 : i32 to vector<16xi32>
      %sign3A_240 = arith.cmpi slt, %select_n3A_227, %sign3A_239 : vector<16xi32>
      %sign3A_241 = arith.extui %sign3A_240 : vector<16xi1> to vector<16xi32>
      %sign3A_242 = arith.subi %sign3A_237, %sign3A_241 : vector<16xi32>
      %sign3A_243 = arith.constant 0 : i32
      %sign3A_244 = arith.cmpi sgt, %jit3A_231, %sign3A_243 : i32
      %sign3A_245 = arith.extui %sign3A_244 : i1 to i32
      %sign3A_246 = arith.constant 0 : i32
      %sign3A_247 = arith.cmpi slt, %jit3A_231, %sign3A_246 : i32
      %sign3A_248 = arith.extui %sign3A_247 : i1 to i32
      %sign3A_249 = arith.subi %sign3A_245, %sign3A_248 : i32
      %ne3A_250 = vector.broadcast %sign3A_249 : i32 to vector<16xi32>
      %ne3A_251 = arith.cmpi ne, %sign3A_242, %ne3A_250 : vector<16xi32>
      %rem3A_252 = vector.broadcast %jit3A_231 : i32 to vector<16xi32>
      %rem3A_253 = arith.remsi %select_n3A_227, %rem3A_252 : vector<16xi32>
      %ne3A_254 = arith.constant 0 : i32
      %ne3A_255 = vector.broadcast %ne3A_254 : i32 to vector<16xi32>
      %ne3A_256 = arith.cmpi ne, %rem3A_253, %ne3A_255 : vector<16xi32>
      %and3A_257 = arith.andi %ne3A_251, %ne3A_256 : vector<16xi1>
      %sub3A_258 = arith.constant 1 : i32
      %sub3A_259 = vector.broadcast %sub3A_258 : i32 to vector<16xi32>
      %sub3A_260 = arith.subi %div3A_233, %sub3A_259 : vector<16xi32>
      %select_n3A_261 = arith.select %and3A_257, %sub3A_260, %div3A_233 : vector<16xi1>, vector<16xi32>
      %mul3A_262 = arith.constant 32 : i32
      %mul3A_263 = vector.broadcast %mul3A_262 : i32 to vector<16xi32>
      %mul3A_264 = arith.muli %select_n3A_261, %mul3A_263 : vector<16xi32>
      %jit3A_265 = arith.constant 128 : i32
      %div3A_266 = vector.broadcast %jit3A_265 : i32 to vector<16xi32>
      %div3A_267 = arith.divsi %select_n3A_230, %div3A_266 : vector<16xi32>
      %sign3A_268 = arith.constant 0 : i32
      %sign3A_269 = vector.broadcast %sign3A_268 : i32 to vector<16xi32>
      %sign3A_270 = arith.cmpi sgt, %select_n3A_230, %sign3A_269 : vector<16xi32>
      %sign3A_271 = arith.extui %sign3A_270 : vector<16xi1> to vector<16xi32>
      %sign3A_272 = arith.constant 0 : i32
      %sign3A_273 = vector.broadcast %sign3A_272 : i32 to vector<16xi32>
      %sign3A_274 = arith.cmpi slt, %select_n3A_230, %sign3A_273 : vector<16xi32>
      %sign3A_275 = arith.extui %sign3A_274 : vector<16xi1> to vector<16xi32>
      %sign3A_276 = arith.subi %sign3A_271, %sign3A_275 : vector<16xi32>
      %sign3A_277 = arith.constant 0 : i32
      %sign3A_278 = arith.cmpi sgt, %jit3A_265, %sign3A_277 : i32
      %sign3A_279 = arith.extui %sign3A_278 : i1 to i32
      %sign3A_280 = arith.constant 0 : i32
      %sign3A_281 = arith.cmpi slt, %jit3A_265, %sign3A_280 : i32
      %sign3A_282 = arith.extui %sign3A_281 : i1 to i32
      %sign3A_283 = arith.subi %sign3A_279, %sign3A_282 : i32
      %ne3A_284 = vector.broadcast %sign3A_283 : i32 to vector<16xi32>
      %ne3A_285 = arith.cmpi ne, %sign3A_276, %ne3A_284 : vector<16xi32>
      %rem3A_286 = vector.broadcast %jit3A_265 : i32 to vector<16xi32>
      %rem3A_287 = arith.remsi %select_n3A_230, %rem3A_286 : vector<16xi32>
      %ne3A_288 = arith.constant 0 : i32
      %ne3A_289 = vector.broadcast %ne3A_288 : i32 to vector<16xi32>
      %ne3A_290 = arith.cmpi ne, %rem3A_287, %ne3A_289 : vector<16xi32>
      %and3A_291 = arith.andi %ne3A_285, %ne3A_290 : vector<16xi1>
      %sub3A_292 = arith.constant 1 : i32
      %sub3A_293 = vector.broadcast %sub3A_292 : i32 to vector<16xi32>
      %sub3A_294 = arith.subi %div3A_267, %sub3A_293 : vector<16xi32>
      %select_n3A_295 = arith.select %and3A_291, %sub3A_294, %div3A_267 : vector<16xi1>, vector<16xi32>
      %mul3A_296 = arith.constant 8 : i32
      %mul3A_297 = vector.broadcast %mul3A_296 : i32 to vector<16xi32>
      %mul3A_298 = arith.muli %select_n3A_295, %mul3A_297 : vector<16xi32>
      %add3A_299 = arith.addi %mul3A_264, %mul3A_298 : vector<16xi32>
      %jit3A_300 = arith.constant 8 : i32
      %eq3A_301 = arith.constant 0 : i32
      %eq3A_302 = arith.cmpi eq, %jit3A_300, %eq3A_301 : i32
      %jit3A_303 = arith.constant 1 : i32
      %select_n3A_304 = arith.select %eq3A_302, %jit3A_303, %jit3A_300 : i32
      %rem3A_305 = vector.broadcast %select_n3A_304 : i32 to vector<16xi32>
      %rem3A_306 = arith.remsi %select_n3A_227, %rem3A_305 : vector<16xi32>
      %ne3A_307 = arith.constant 0 : i32
      %ne3A_308 = vector.broadcast %ne3A_307 : i32 to vector<16xi32>
      %ne3A_309 = arith.cmpi ne, %rem3A_306, %ne3A_308 : vector<16xi32>
      %lt3A_310 = arith.constant 0 : i32
      %lt3A_311 = vector.broadcast %lt3A_310 : i32 to vector<16xi32>
      %lt3A_312 = arith.cmpi slt, %rem3A_306, %lt3A_311 : vector<16xi32>
      %lt3A_313 = arith.constant 0 : i32
      %lt3A_314 = arith.cmpi slt, %select_n3A_304, %lt3A_313 : i32
      %ne3A_315 = vector.broadcast %lt3A_314 : i1 to vector<16xi1>
      %ne3A_316 = vector.broadcast %ne3A_315 : vector<16xi1> to vector<16xi1>
      %ne3A_317 = arith.xori %lt3A_312, %ne3A_316 : vector<16xi1>
      %and3A_318 = arith.andi %ne3A_317, %ne3A_309 : vector<16xi1>
      %add3A_319 = vector.broadcast %select_n3A_304 : i32 to vector<16xi32>
      %add3A_320 = arith.addi %rem3A_306, %add3A_319 : vector<16xi32>
      %select_n3A_321 = arith.select %and3A_318, %add3A_320, %rem3A_306 : vector<16xi1>, vector<16xi32>
      %add3A_322 = arith.addi %add3A_299, %select_n3A_321 : vector<16xi32>
      %jit3A_323 = arith.constant 128 : i32
      %eq3A_324 = arith.constant 0 : i32
      %eq3A_325 = arith.cmpi eq, %jit3A_323, %eq3A_324 : i32
      %jit3A_326 = arith.constant 1 : i32
      %select_n3A_327 = arith.select %eq3A_325, %jit3A_326, %jit3A_323 : i32
      %rem3A_328 = vector.broadcast %select_n3A_327 : i32 to vector<16xi32>
      %rem3A_329 = arith.remsi %select_n3A_230, %rem3A_328 : vector<16xi32>
      %ne3A_330 = arith.constant 0 : i32
      %ne3A_331 = vector.broadcast %ne3A_330 : i32 to vector<16xi32>
      %ne3A_332 = arith.cmpi ne, %rem3A_329, %ne3A_331 : vector<16xi32>
      %lt3A_333 = arith.constant 0 : i32
      %lt3A_334 = vector.broadcast %lt3A_333 : i32 to vector<16xi32>
      %lt3A_335 = arith.cmpi slt, %rem3A_329, %lt3A_334 : vector<16xi32>
      %lt3A_336 = arith.constant 0 : i32
      %lt3A_337 = arith.cmpi slt, %select_n3A_327, %lt3A_336 : i32
      %ne3A_338 = vector.broadcast %lt3A_337 : i1 to vector<16xi1>
      %ne3A_339 = vector.broadcast %ne3A_338 : vector<16xi1> to vector<16xi1>
      %ne3A_340 = arith.xori %lt3A_335, %ne3A_339 : vector<16xi1>
      %and3A_341 = arith.andi %ne3A_340, %ne3A_332 : vector<16xi1>
      %add3A_342 = vector.broadcast %select_n3A_327 : i32 to vector<16xi32>
      %add3A_343 = arith.addi %rem3A_329, %add3A_342 : vector<16xi32>
      %select_n3A_344 = arith.select %and3A_341, %add3A_343, %rem3A_329 : vector<16xi1>, vector<16xi32>
      tpu.vector_store_idx %arg11[%add3A_322, %select_n3A_344], %broadcast_in_dim3A_3 masked %and3A_224 : memref<64x128xf32, #tpu.memory_space<vmem>>[vector<16xi32>, vector<16xi32>], vector<16xf32>, vector<16xi1>
    }
    %scan3A_157 = arith.constant 128 : i32
    %mul3A_158 = arith.constant 64 : i32
    %mul3A_159 = arith.muli %add3A, %mul3A_158 : i32
    "tpu.region"() ({
      %run_scoped3A = tpu.sem_alloc : memref<!tpu.dma_semaphore, #tpu.memory_space<semaphore_mem>>
      %dma_start3A_162 = arith.constant 0 : i32
      %dma_start3A_163 = tpu.memref_slice %arg7[%mul3A_159, %dma_start3A_162] : memref<2048x128xf32, #tpu.memory_space<hbm>> -> memref<64x128xf32, #tpu.memory_space<hbm>>
      %dma_start3A_164 = arith.constant 0 : i32
      %dma_start3A_165 = tpu.memref_slice %arg7[%mul3A_159, %dma_start3A_164] : memref<2048x128xf32, #tpu.memory_space<hbm>> -> memref<64x128xf32, #tpu.memory_space<hbm>>
      tpu.enqueue_dma source(%arg10 : memref<64x128xf32, #tpu.memory_space<vmem>>) target(%dma_start3A_165 : memref<64x128xf32, #tpu.memory_space<hbm>>) target_semaphore(%run_scoped3A : memref<!tpu.dma_semaphore, #tpu.memory_space<semaphore_mem>>)
      %dma_wait3A_166 = arith.constant 0 : i32
      %dma_wait3A_167 = tpu.memref_slice %arg7[%mul3A_159, %dma_wait3A_166] : memref<2048x128xf32, #tpu.memory_space<hbm>> -> memref<64x128xf32, #tpu.memory_space<hbm>>
      %dma_wait3A_168 = arith.constant 0 : i32
      %dma_wait3A_169 = tpu.memref_slice %arg7[%mul3A_159, %dma_wait3A_168] : memref<2048x128xf32, #tpu.memory_space<hbm>> -> memref<64x128xf32, #tpu.memory_space<hbm>>
      tpu.wait_dma2 semaphore(%run_scoped3A : memref<!tpu.dma_semaphore, #tpu.memory_space<semaphore_mem>>) src(%arg10 : memref<64x128xf32, #tpu.memory_space<vmem>>) dst(%dma_wait3A_169 : memref<64x128xf32, #tpu.memory_space<hbm>>)
      tpu.yield
    }) : () -> ()
    %mul3A_160 = arith.constant 64 : i32
    %mul3A_161 = arith.muli %add3A, %mul3A_160 : i32
    "tpu.region"() ({
      %run_scoped3A = tpu.sem_alloc : memref<!tpu.dma_semaphore, #tpu.memory_space<semaphore_mem>>
      %dma_start3A_162 = arith.constant 0 : i32
      %dma_start3A_163 = tpu.memref_slice %arg8[%mul3A_161, %dma_start3A_162] : memref<2048x128xf32, #tpu.memory_space<hbm>> -> memref<64x128xf32, #tpu.memory_space<hbm>>
      %dma_start3A_164 = arith.constant 0 : i32
      %dma_start3A_165 = tpu.memref_slice %arg8[%mul3A_161, %dma_start3A_164] : memref<2048x128xf32, #tpu.memory_space<hbm>> -> memref<64x128xf32, #tpu.memory_space<hbm>>
      tpu.enqueue_dma source(%arg11 : memref<64x128xf32, #tpu.memory_space<vmem>>) target(%dma_start3A_165 : memref<64x128xf32, #tpu.memory_space<hbm>>) target_semaphore(%run_scoped3A : memref<!tpu.dma_semaphore, #tpu.memory_space<semaphore_mem>>)
      %dma_wait3A_166 = arith.constant 0 : i32
      %dma_wait3A_167 = tpu.memref_slice %arg8[%mul3A_161, %dma_wait3A_166] : memref<2048x128xf32, #tpu.memory_space<hbm>> -> memref<64x128xf32, #tpu.memory_space<hbm>>
      %dma_wait3A_168 = arith.constant 0 : i32
      %dma_wait3A_169 = tpu.memref_slice %arg8[%mul3A_161, %dma_wait3A_168] : memref<2048x128xf32, #tpu.memory_space<hbm>> -> memref<64x128xf32, #tpu.memory_space<hbm>>
      tpu.wait_dma2 semaphore(%run_scoped3A : memref<!tpu.dma_semaphore, #tpu.memory_space<semaphore_mem>>) src(%arg11 : memref<64x128xf32, #tpu.memory_space<vmem>>) dst(%dma_wait3A_169 : memref<64x128xf32, #tpu.memory_space<hbm>>)
      tpu.yield
    }) : () -> ()
    return
  }
}

module attributes {stable_mosaic.version = 14 : i64} {
  func.func @_dense_body(%arg0: i32, %arg1: memref<512xi32, #tpu.memory_space<smem>>, %arg2: memref<512xi32, #tpu.memory_space<smem>>, %arg3: memref<1x512xi32, #tpu.memory_space<vmem>>, %arg4: memref<4096x128xf32, #tpu.memory_space<vmem>>, %arg5: memref<4096x3xf32, #tpu.memory_space<vmem>>, %arg6: memref<4096x3xf32, #tpu.memory_space<vmem>>, %arg7: memref<1x1x128xf32, #tpu.memory_space<vmem>>, %arg8: memref<1x1x128xf32, #tpu.memory_space<vmem>>, %arg9: memref<1x1x128xf32, #tpu.memory_space<vmem>>, %arg10: memref<1x1x128xf32, #tpu.memory_space<vmem>>, %arg11: memref<1x1x128xf32, #tpu.memory_space<vmem>>, %arg12: memref<1x1x128xf32, #tpu.memory_space<vmem>>, %arg13: memref<1x1x128xf32, #tpu.memory_space<vmem>>, %arg14: memref<1x1x128xf32, #tpu.memory_space<vmem>>, %arg15: memref<8x512x256xf32, #tpu.memory_space<vmem>>, %arg16: memref<8x3xf32, #tpu.memory_space<vmem>>, %arg17: memref<8x3xf32, #tpu.memory_space<vmem>>, %arg18: memref<4096x512xf32, #tpu.memory_space<vmem>>, %arg19: memref<512x128xf32, #tpu.memory_space<vmem>>) attributes {dimension_semantics = [#tpu.dimension_semantics<arbitrary>], iteration_bounds = array<i64: 64>, scalar_prefetch = 2 : i64, scratch_operands = 2 : i64, tpu.core_type = #tpu.core_type<tc>, window_params = [{pipeline_mode = #tpu.pipeline_mode<synchronous>, transform_indices = @transform_0, window_bounds = array<i64: 1, 512>}, {pipeline_mode = #tpu.pipeline_mode<synchronous>, transform_indices = @transform_1, window_bounds = array<i64: 4096, 128>}, {pipeline_mode = #tpu.pipeline_mode<synchronous>, transform_indices = @transform_2, window_bounds = array<i64: 4096, 3>}, {pipeline_mode = #tpu.pipeline_mode<synchronous>, transform_indices = @transform_3, window_bounds = array<i64: 4096, 3>}, {transform_indices = @transform_4, window_bounds = array<i64: 1, 1, 128>}, {transform_indices = @transform_5, window_bounds = array<i64: 1, 1, 128>}, {transform_indices = @transform_6, window_bounds = array<i64: 1, 1, 128>}, {transform_indices = @transform_7, window_bounds = array<i64: 1, 1, 128>}, {transform_indices = @transform_8, window_bounds = array<i64: 1, 1, 128>}, {transform_indices = @transform_9, window_bounds = array<i64: 1, 1, 128>}, {transform_indices = @transform_10, window_bounds = array<i64: 1, 1, 128>}, {transform_indices = @transform_11, window_bounds = array<i64: 1, 1, 128>}, {transform_indices = @transform_12, window_bounds = array<i64: 8, 512, 256>}, {transform_indices = @transform_13, window_bounds = array<i64: 8, 3>}, {transform_indices = @transform_14, window_bounds = array<i64: 8, 3>}]} {
    %eq3A = arith.constant 0 : i32
    %eq3A_0 = arith.cmpi eq, %arg0, %eq3A : i32
    %convert_element_type3A = arith.extui %eq3A_0 : i1 to i32
    %cond3A = arith.constant 0 : i32
    %cond3A_1 = arith.cmpi ne, %convert_element_type3A, %cond3A : i32
    scf.if %cond3A_1 {
      %get3A_205 = arith.constant 0 : index
      %get3A_206 = arith.constant 0 : index
      %get3A_207 = vector.load %arg3[%get3A_205, %get3A_206] : memref<1x512xi32, #tpu.memory_space<vmem>>, vector<1x512xi32>
      %iota3A = tpu.iota {dimensions = array<i32: 0>} : vector<4096x512xi32>
      %eq3A_208 = vector.broadcast %get3A_207 : vector<1x512xi32> to vector<4096x512xi32>
      %eq3A_209 = arith.cmpi eq, %iota3A, %eq3A_208 : vector<4096x512xi32>
      %convert_element_type3A_210 = arith.extui %eq3A_209 : vector<4096x512xi1> to vector<4096x512xi32>
      %convert_element_type3A_211 = arith.sitofp %convert_element_type3A_210 : vector<4096x512xi32> to vector<4096x512xf32>
      %swap3A_212 = arith.constant 0 : index
      %swap3A_213 = arith.constant 0 : index
      %swap3A_214 = vector.load %arg18[%swap3A_212, %swap3A_213] : memref<4096x512xf32, #tpu.memory_space<vmem>>, vector<4096x512xf32>
      tpu.vector_store %arg18[%swap3A_212, %swap3A_213], %convert_element_type3A_211 {strides = array<i32>} : memref<4096x512xf32, #tpu.memory_space<vmem>>, vector<4096x512xf32>,
      %get3A_215 = arith.constant 0 : index
      %get3A_216 = arith.constant 0 : index
      %get3A_217 = vector.load %arg18[%get3A_215, %get3A_216] : memref<4096x512xf32, #tpu.memory_space<vmem>>, vector<4096x512xf32>
      %get3A_218 = arith.constant 0 : index
      %get3A_219 = arith.constant 0 : index
      %get3A_220 = vector.load %arg4[%get3A_218, %get3A_219] : memref<4096x128xf32, #tpu.memory_space<vmem>>, vector<4096x128xf32>
      %dot_general3A = arith.constant dense<0.000000e+00> : vector<512x128xf32>
      %dot_general3A_221 = tpu.matmul %get3A_217, %get3A_220, %dot_general3A {dimension_numbers = #tpu.dot_dimension_numbers<[0], [0], [1], [1], [0, 1, 1, 1], [], []>, transpose_lhs_hint = false} : vector<4096x512xf32>, vector<4096x128xf32>, vector<512x128xf32> -> vector<512x128xf32>
      %swap3A_222 = arith.constant 0 : index
      %swap3A_223 = arith.constant 0 : index
      %swap3A_224 = vector.load %arg19[%swap3A_222, %swap3A_223] : memref<512x128xf32, #tpu.memory_space<vmem>>, vector<512x128xf32>
      tpu.vector_store %arg19[%swap3A_222, %swap3A_223], %dot_general3A_221 {strides = array<i32>} : memref<512x128xf32, #tpu.memory_space<vmem>>, vector<512x128xf32>,
    } else {
    }
    %get3A = arith.constant 0 : index
    %get3A_2 = arith.constant 0 : index
    %get3A_3 = arith.constant 0 : index
    %get3A_4 = vector.load %arg7[%get3A, %get3A_2, %get3A_3] : memref<1x1x128xf32, #tpu.memory_space<vmem>>, vector<1x1x128xf32>
    %squeeze3A = vector.shape_cast %get3A_4 : vector<1x1x128xf32> to vector<1x128xf32>
    %get3A_5 = arith.constant 0 : index
    %get3A_6 = arith.constant 0 : index
    %get3A_7 = arith.constant 0 : index
    %get3A_8 = vector.load %arg8[%get3A_5, %get3A_6, %get3A_7] : memref<1x1x128xf32, #tpu.memory_space<vmem>>, vector<1x1x128xf32>
    %squeeze3A_9 = vector.shape_cast %get3A_8 : vector<1x1x128xf32> to vector<1x128xf32>
    %get3A_10 = arith.constant 0 : index
    %get3A_11 = arith.constant 0 : index
    %get3A_12 = arith.constant 0 : index
    %get3A_13 = vector.load %arg9[%get3A_10, %get3A_11, %get3A_12] : memref<1x1x128xf32, #tpu.memory_space<vmem>>, vector<1x1x128xf32>
    %squeeze3A_14 = vector.shape_cast %get3A_13 : vector<1x1x128xf32> to vector<1x128xf32>
    %get3A_15 = arith.constant 0 : index
    %get3A_16 = arith.constant 0 : index
    %get3A_17 = arith.constant 0 : index
    %get3A_18 = vector.load %arg10[%get3A_15, %get3A_16, %get3A_17] : memref<1x1x128xf32, #tpu.memory_space<vmem>>, vector<1x1x128xf32>
    %squeeze3A_19 = vector.shape_cast %get3A_18 : vector<1x1x128xf32> to vector<1x128xf32>
    %get3A_20 = arith.constant 0 : index
    %get3A_21 = arith.constant 0 : index
    %get3A_22 = arith.constant 0 : index
    %get3A_23 = vector.load %arg11[%get3A_20, %get3A_21, %get3A_22] : memref<1x1x128xf32, #tpu.memory_space<vmem>>, vector<1x1x128xf32>
    %squeeze3A_24 = vector.shape_cast %get3A_23 : vector<1x1x128xf32> to vector<1x128xf32>
    %get3A_25 = arith.constant 0 : index
    %get3A_26 = arith.constant 0 : index
    %get3A_27 = arith.constant 0 : index
    %get3A_28 = vector.load %arg12[%get3A_25, %get3A_26, %get3A_27] : memref<1x1x128xf32, #tpu.memory_space<vmem>>, vector<1x1x128xf32>
    %squeeze3A_29 = vector.shape_cast %get3A_28 : vector<1x1x128xf32> to vector<1x128xf32>
    %get3A_30 = arith.constant 0 : index
    %get3A_31 = arith.constant 0 : index
    %get3A_32 = arith.constant 0 : index
    %get3A_33 = vector.load %arg13[%get3A_30, %get3A_31, %get3A_32] : memref<1x1x128xf32, #tpu.memory_space<vmem>>, vector<1x1x128xf32>
    %squeeze3A_34 = vector.shape_cast %get3A_33 : vector<1x1x128xf32> to vector<1x128xf32>
    %get3A_35 = arith.constant 0 : index
    %get3A_36 = arith.constant 0 : index
    %get3A_37 = arith.constant 0 : index
    %get3A_38 = vector.load %arg14[%get3A_35, %get3A_36, %get3A_37] : memref<1x1x128xf32, #tpu.memory_space<vmem>>, vector<1x1x128xf32>
    %squeeze3A_39 = vector.shape_cast %get3A_38 : vector<1x1x128xf32> to vector<1x128xf32>
    %concatenate3A = tpu.concatenate %squeeze3A, %squeeze3A_9, %squeeze3A_14, %squeeze3A_19, %squeeze3A_24, %squeeze3A_29, %squeeze3A_34, %squeeze3A_39 in 0 : vector<1x128xf32>, vector<1x128xf32>, vector<1x128xf32>, vector<1x128xf32>, vector<1x128xf32>, vector<1x128xf32>, vector<1x128xf32>, vector<1x128xf32> -> vector<8x128xf32>
    %broadcast_in_dim3A = vector.shape_cast %concatenate3A : vector<8x128xf32> to vector<8x1x128xf32>
    %broadcast_in_dim3A_40 = vector.shape_cast %broadcast_in_dim3A : vector<8x1x128xf32> to vector<8x1x128xf32>
    %broadcast_in_dim3A_41 = vector.broadcast %broadcast_in_dim3A_40 : vector<8x1x128xf32> to vector<8x512x128xf32>
    %swap3A = arith.constant 0 : index
    %swap3A_42 = arith.constant 0 : index
    %swap3A_43 = arith.constant 0 : index
    %swap3A_44 = vector.load %arg15[%swap3A, %swap3A_42, %swap3A_43] : memref<8x512x256xf32, #tpu.memory_space<vmem>>, vector<8x512x128xf32>
    tpu.vector_store %arg15[%swap3A, %swap3A_42, %swap3A_43], %broadcast_in_dim3A_41 {strides = array<i32>} : memref<8x512x256xf32, #tpu.memory_space<vmem>>, vector<8x512x128xf32>,
    %get3A_45 = arith.constant 0 : index
    %get3A_46 = arith.constant 0 : index
    %get3A_47 = vector.load %arg19[%get3A_45, %get3A_46] : memref<512x128xf32, #tpu.memory_space<vmem>>, vector<512x128xf32>
    %broadcast_in_dim3A_48 = vector.shape_cast %get3A_47 : vector<512x128xf32> to vector<1x512x128xf32>
    %broadcast_in_dim3A_49 = vector.shape_cast %broadcast_in_dim3A_48 : vector<1x512x128xf32> to vector<1x512x128xf32>
    %broadcast_in_dim3A_50 = vector.broadcast %broadcast_in_dim3A_49 : vector<1x512x128xf32> to vector<8x512x128xf32>
    %swap3A_51 = arith.constant 0 : index
    %swap3A_52 = arith.constant 0 : index
    %swap3A_53 = arith.constant 128 : index
    %swap3A_54 = vector.load %arg15[%swap3A_51, %swap3A_52, %swap3A_53] : memref<8x512x256xf32, #tpu.memory_space<vmem>>, vector<8x512x128xf32>
    tpu.vector_store %arg15[%swap3A_51, %swap3A_52, %swap3A_53], %broadcast_in_dim3A_50 {strides = array<i32>} : memref<8x512x256xf32, #tpu.memory_space<vmem>>, vector<8x512x128xf32>,
    %mul3A = arith.constant 8 : i32
    %mul3A_55 = arith.muli %arg0, %mul3A : i32
    %add3A = arith.constant 0 : i32
    %add3A_56 = arith.addi %mul3A_55, %add3A : i32
    %get3A_57 = arith.index_cast %add3A_56 : i32 to index
    %get3A_58 = memref.load %arg1[%get3A_57] : memref<512xi32, #tpu.memory_space<smem>>
    %get3A_59 = arith.index_cast %get3A_58 : i32 to index
    %get3A_60 = arith.constant 0 : index
    %get3A_61 = vector.load %arg5[%get3A_59, %get3A_60] : memref<4096x3xf32, #tpu.memory_space<vmem>>, vector<1x3xf32>
    %mul3A_62 = arith.constant 8 : i32
    %mul3A_63 = arith.muli %arg0, %mul3A_62 : i32
    %add3A_64 = arith.constant 1 : i32
    %add3A_65 = arith.addi %mul3A_63, %add3A_64 : i32
    %get3A_66 = arith.index_cast %add3A_65 : i32 to index
    %get3A_67 = memref.load %arg1[%get3A_66] : memref<512xi32, #tpu.memory_space<smem>>
    %get3A_68 = arith.index_cast %get3A_67 : i32 to index
    %get3A_69 = arith.constant 0 : index
    %get3A_70 = vector.load %arg5[%get3A_68, %get3A_69] : memref<4096x3xf32, #tpu.memory_space<vmem>>, vector<1x3xf32>
    %mul3A_71 = arith.constant 8 : i32
    %mul3A_72 = arith.muli %arg0, %mul3A_71 : i32
    %add3A_73 = arith.constant 2 : i32
    %add3A_74 = arith.addi %mul3A_72, %add3A_73 : i32
    %get3A_75 = arith.index_cast %add3A_74 : i32 to index
    %get3A_76 = memref.load %arg1[%get3A_75] : memref<512xi32, #tpu.memory_space<smem>>
    %get3A_77 = arith.index_cast %get3A_76 : i32 to index
    %get3A_78 = arith.constant 0 : index
    %get3A_79 = vector.load %arg5[%get3A_77, %get3A_78] : memref<4096x3xf32, #tpu.memory_space<vmem>>, vector<1x3xf32>
    %mul3A_80 = arith.constant 8 : i32
    %mul3A_81 = arith.muli %arg0, %mul3A_80 : i32
    %add3A_82 = arith.constant 3 : i32
    %add3A_83 = arith.addi %mul3A_81, %add3A_82 : i32
    %get3A_84 = arith.index_cast %add3A_83 : i32 to index
    %get3A_85 = memref.load %arg1[%get3A_84] : memref<512xi32, #tpu.memory_space<smem>>
    %get3A_86 = arith.index_cast %get3A_85 : i32 to index
    %get3A_87 = arith.constant 0 : index
    %get3A_88 = vector.load %arg5[%get3A_86, %get3A_87] : memref<4096x3xf32, #tpu.memory_space<vmem>>, vector<1x3xf32>
    %mul3A_89 = arith.constant 8 : i32
    %mul3A_90 = arith.muli %arg0, %mul3A_89 : i32
    %add3A_91 = arith.constant 4 : i32
    %add3A_92 = arith.addi %mul3A_90, %add3A_91 : i32
    %get3A_93 = arith.index_cast %add3A_92 : i32 to index
    %get3A_94 = memref.load %arg1[%get3A_93] : memref<512xi32, #tpu.memory_space<smem>>
    %get3A_95 = arith.index_cast %get3A_94 : i32 to index
    %get3A_96 = arith.constant 0 : index
    %get3A_97 = vector.load %arg5[%get3A_95, %get3A_96] : memref<4096x3xf32, #tpu.memory_space<vmem>>, vector<1x3xf32>
    %mul3A_98 = arith.constant 8 : i32
    %mul3A_99 = arith.muli %arg0, %mul3A_98 : i32
    %add3A_100 = arith.constant 5 : i32
    %add3A_101 = arith.addi %mul3A_99, %add3A_100 : i32
    %get3A_102 = arith.index_cast %add3A_101 : i32 to index
    %get3A_103 = memref.load %arg1[%get3A_102] : memref<512xi32, #tpu.memory_space<smem>>
    %get3A_104 = arith.index_cast %get3A_103 : i32 to index
    %get3A_105 = arith.constant 0 : index
    %get3A_106 = vector.load %arg5[%get3A_104, %get3A_105] : memref<4096x3xf32, #tpu.memory_space<vmem>>, vector<1x3xf32>
    %mul3A_107 = arith.constant 8 : i32
    %mul3A_108 = arith.muli %arg0, %mul3A_107 : i32
    %add3A_109 = arith.constant 6 : i32
    %add3A_110 = arith.addi %mul3A_108, %add3A_109 : i32
    %get3A_111 = arith.index_cast %add3A_110 : i32 to index
    %get3A_112 = memref.load %arg1[%get3A_111] : memref<512xi32, #tpu.memory_space<smem>>
    %get3A_113 = arith.index_cast %get3A_112 : i32 to index
    %get3A_114 = arith.constant 0 : index
    %get3A_115 = vector.load %arg5[%get3A_113, %get3A_114] : memref<4096x3xf32, #tpu.memory_space<vmem>>, vector<1x3xf32>
    %mul3A_116 = arith.constant 8 : i32
    %mul3A_117 = arith.muli %arg0, %mul3A_116 : i32
    %add3A_118 = arith.constant 7 : i32
    %add3A_119 = arith.addi %mul3A_117, %add3A_118 : i32
    %get3A_120 = arith.index_cast %add3A_119 : i32 to index
    %get3A_121 = memref.load %arg1[%get3A_120] : memref<512xi32, #tpu.memory_space<smem>>
    %get3A_122 = arith.index_cast %get3A_121 : i32 to index
    %get3A_123 = arith.constant 0 : index
    %get3A_124 = vector.load %arg5[%get3A_122, %get3A_123] : memref<4096x3xf32, #tpu.memory_space<vmem>>, vector<1x3xf32>
    %concatenate3A_125 = tpu.concatenate %get3A_61, %get3A_70, %get3A_79, %get3A_88, %get3A_97, %get3A_106, %get3A_115, %get3A_124 in 0 : vector<1x3xf32>, vector<1x3xf32>, vector<1x3xf32>, vector<1x3xf32>, vector<1x3xf32>, vector<1x3xf32>, vector<1x3xf32>, vector<1x3xf32> -> vector<8x3xf32>
    %swap3A_126 = arith.constant 0 : index
    %swap3A_127 = arith.constant 0 : index
    %swap3A_128 = vector.load %arg16[%swap3A_126, %swap3A_127] : memref<8x3xf32, #tpu.memory_space<vmem>>, vector<8x3xf32>
    tpu.vector_store %arg16[%swap3A_126, %swap3A_127], %concatenate3A_125 {strides = array<i32>} : memref<8x3xf32, #tpu.memory_space<vmem>>, vector<8x3xf32>,
    %mul3A_129 = arith.constant 8 : i32
    %mul3A_130 = arith.muli %arg0, %mul3A_129 : i32
    %add3A_131 = arith.constant 0 : i32
    %add3A_132 = arith.addi %mul3A_130, %add3A_131 : i32
    %get3A_133 = arith.index_cast %add3A_132 : i32 to index
    %get3A_134 = memref.load %arg2[%get3A_133] : memref<512xi32, #tpu.memory_space<smem>>
    %get3A_135 = arith.index_cast %get3A_134 : i32 to index
    %get3A_136 = arith.constant 0 : index
    %get3A_137 = vector.load %arg6[%get3A_135, %get3A_136] : memref<4096x3xf32, #tpu.memory_space<vmem>>, vector<1x3xf32>
    %mul3A_138 = arith.constant 8 : i32
    %mul3A_139 = arith.muli %arg0, %mul3A_138 : i32
    %add3A_140 = arith.constant 1 : i32
    %add3A_141 = arith.addi %mul3A_139, %add3A_140 : i32
    %get3A_142 = arith.index_cast %add3A_141 : i32 to index
    %get3A_143 = memref.load %arg2[%get3A_142] : memref<512xi32, #tpu.memory_space<smem>>
    %get3A_144 = arith.index_cast %get3A_143 : i32 to index
    %get3A_145 = arith.constant 0 : index
    %get3A_146 = vector.load %arg6[%get3A_144, %get3A_145] : memref<4096x3xf32, #tpu.memory_space<vmem>>, vector<1x3xf32>
    %mul3A_147 = arith.constant 8 : i32
    %mul3A_148 = arith.muli %arg0, %mul3A_147 : i32
    %add3A_149 = arith.constant 2 : i32
    %add3A_150 = arith.addi %mul3A_148, %add3A_149 : i32
    %get3A_151 = arith.index_cast %add3A_150 : i32 to index
    %get3A_152 = memref.load %arg2[%get3A_151] : memref<512xi32, #tpu.memory_space<smem>>
    %get3A_153 = arith.index_cast %get3A_152 : i32 to index
    %get3A_154 = arith.constant 0 : index
    %get3A_155 = vector.load %arg6[%get3A_153, %get3A_154] : memref<4096x3xf32, #tpu.memory_space<vmem>>, vector<1x3xf32>
    %mul3A_156 = arith.constant 8 : i32
    %mul3A_157 = arith.muli %arg0, %mul3A_156 : i32
    %add3A_158 = arith.constant 3 : i32
    %add3A_159 = arith.addi %mul3A_157, %add3A_158 : i32
    %get3A_160 = arith.index_cast %add3A_159 : i32 to index
    %get3A_161 = memref.load %arg2[%get3A_160] : memref<512xi32, #tpu.memory_space<smem>>
    %get3A_162 = arith.index_cast %get3A_161 : i32 to index
    %get3A_163 = arith.constant 0 : index
    %get3A_164 = vector.load %arg6[%get3A_162, %get3A_163] : memref<4096x3xf32, #tpu.memory_space<vmem>>, vector<1x3xf32>
    %mul3A_165 = arith.constant 8 : i32
    %mul3A_166 = arith.muli %arg0, %mul3A_165 : i32
    %add3A_167 = arith.constant 4 : i32
    %add3A_168 = arith.addi %mul3A_166, %add3A_167 : i32
    %get3A_169 = arith.index_cast %add3A_168 : i32 to index
    %get3A_170 = memref.load %arg2[%get3A_169] : memref<512xi32, #tpu.memory_space<smem>>
    %get3A_171 = arith.index_cast %get3A_170 : i32 to index
    %get3A_172 = arith.constant 0 : index
    %get3A_173 = vector.load %arg6[%get3A_171, %get3A_172] : memref<4096x3xf32, #tpu.memory_space<vmem>>, vector<1x3xf32>
    %mul3A_174 = arith.constant 8 : i32
    %mul3A_175 = arith.muli %arg0, %mul3A_174 : i32
    %add3A_176 = arith.constant 5 : i32
    %add3A_177 = arith.addi %mul3A_175, %add3A_176 : i32
    %get3A_178 = arith.index_cast %add3A_177 : i32 to index
    %get3A_179 = memref.load %arg2[%get3A_178] : memref<512xi32, #tpu.memory_space<smem>>
    %get3A_180 = arith.index_cast %get3A_179 : i32 to index
    %get3A_181 = arith.constant 0 : index
    %get3A_182 = vector.load %arg6[%get3A_180, %get3A_181] : memref<4096x3xf32, #tpu.memory_space<vmem>>, vector<1x3xf32>
    %mul3A_183 = arith.constant 8 : i32
    %mul3A_184 = arith.muli %arg0, %mul3A_183 : i32
    %add3A_185 = arith.constant 6 : i32
    %add3A_186 = arith.addi %mul3A_184, %add3A_185 : i32
    %get3A_187 = arith.index_cast %add3A_186 : i32 to index
    %get3A_188 = memref.load %arg2[%get3A_187] : memref<512xi32, #tpu.memory_space<smem>>
    %get3A_189 = arith.index_cast %get3A_188 : i32 to index
    %get3A_190 = arith.constant 0 : index
    %get3A_191 = vector.load %arg6[%get3A_189, %get3A_190] : memref<4096x3xf32, #tpu.memory_space<vmem>>, vector<1x3xf32>
    %mul3A_192 = arith.constant 8 : i32
    %mul3A_193 = arith.muli %arg0, %mul3A_192 : i32
    %add3A_194 = arith.constant 7 : i32
    %add3A_195 = arith.addi %mul3A_193, %add3A_194 : i32
    %get3A_196 = arith.index_cast %add3A_195 : i32 to index
    %get3A_197 = memref.load %arg2[%get3A_196] : memref<512xi32, #tpu.memory_space<smem>>
    %get3A_198 = arith.index_cast %get3A_197 : i32 to index
    %get3A_199 = arith.constant 0 : index
    %get3A_200 = vector.load %arg6[%get3A_198, %get3A_199] : memref<4096x3xf32, #tpu.memory_space<vmem>>, vector<1x3xf32>
    %concatenate3A_201 = tpu.concatenate %get3A_137, %get3A_146, %get3A_155, %get3A_164, %get3A_173, %get3A_182, %get3A_191, %get3A_200 in 0 : vector<1x3xf32>, vector<1x3xf32>, vector<1x3xf32>, vector<1x3xf32>, vector<1x3xf32>, vector<1x3xf32>, vector<1x3xf32>, vector<1x3xf32> -> vector<8x3xf32>
    %swap3A_202 = arith.constant 0 : index
    %swap3A_203 = arith.constant 0 : index
    %swap3A_204 = vector.load %arg17[%swap3A_202, %swap3A_203] : memref<8x3xf32, #tpu.memory_space<vmem>>, vector<8x3xf32>
    tpu.vector_store %arg17[%swap3A_202, %swap3A_203], %concatenate3A_201 {strides = array<i32>} : memref<8x3xf32, #tpu.memory_space<vmem>>, vector<8x3xf32>,
    return
  }
  func.func @transform_0(%arg0: i32, %arg1: memref<512xi32, #tpu.memory_space<smem>>, %arg2: memref<512xi32, #tpu.memory_space<smem>>) -> (i32, i32) {
    %c0_i32 = arith.constant 0 : i32
    %c0_i32_0 = arith.constant 0 : i32
    %c0_i32_1 = arith.constant 0 : i32
    return %c0_i32, %c0_i32_0 : i32, i32
  }
  func.func @transform_1(%arg0: i32, %arg1: memref<512xi32, #tpu.memory_space<smem>>, %arg2: memref<512xi32, #tpu.memory_space<smem>>) -> (i32, i32) {
    %c0_i32 = arith.constant 0 : i32
    %c0_i32_0 = arith.constant 0 : i32
    %c0_i32_1 = arith.constant 0 : i32
    return %c0_i32, %c0_i32_0 : i32, i32
  }
  func.func @transform_2(%arg0: i32, %arg1: memref<512xi32, #tpu.memory_space<smem>>, %arg2: memref<512xi32, #tpu.memory_space<smem>>) -> (i32, i32) {
    %c0_i32 = arith.constant 0 : i32
    %c0_i32_0 = arith.constant 0 : i32
    %c0_i32_1 = arith.constant 0 : i32
    return %c0_i32, %c0_i32_0 : i32, i32
  }
  func.func @transform_3(%arg0: i32, %arg1: memref<512xi32, #tpu.memory_space<smem>>, %arg2: memref<512xi32, #tpu.memory_space<smem>>) -> (i32, i32) {
    %c0_i32 = arith.constant 0 : i32
    %c0_i32_0 = arith.constant 0 : i32
    %c0_i32_1 = arith.constant 0 : i32
    return %c0_i32, %c0_i32_0 : i32, i32
  }
  func.func @transform_4(%arg0: i32, %arg1: memref<512xi32, #tpu.memory_space<smem>>, %arg2: memref<512xi32, #tpu.memory_space<smem>>) -> (i32, i32, i32) {
    %mul3A = arith.constant 8 : i32
    %mul3A_0 = arith.muli %arg0, %mul3A : i32
    %add3A = arith.constant 0 : i32
    %add3A_1 = arith.addi %mul3A_0, %add3A : i32
    %get3A = arith.index_cast %add3A_1 : i32 to index
    %get3A_2 = memref.load %arg1[%get3A] : memref<512xi32, #tpu.memory_space<smem>>
    %c0_i32 = arith.constant 0 : i32
    %c0_i32_3 = arith.constant 0 : i32
    %c0_i32_4 = arith.constant 0 : i32
    return %get3A_2, %c0_i32, %c0_i32_3 : i32, i32, i32
  }
  func.func @transform_5(%arg0: i32, %arg1: memref<512xi32, #tpu.memory_space<smem>>, %arg2: memref<512xi32, #tpu.memory_space<smem>>) -> (i32, i32, i32) {
    %mul3A = arith.constant 8 : i32
    %mul3A_0 = arith.muli %arg0, %mul3A : i32
    %add3A = arith.constant 1 : i32
    %add3A_1 = arith.addi %mul3A_0, %add3A : i32
    %get3A = arith.index_cast %add3A_1 : i32 to index
    %get3A_2 = memref.load %arg1[%get3A] : memref<512xi32, #tpu.memory_space<smem>>
    %c0_i32 = arith.constant 0 : i32
    %c0_i32_3 = arith.constant 0 : i32
    %c0_i32_4 = arith.constant 0 : i32
    return %get3A_2, %c0_i32, %c0_i32_3 : i32, i32, i32
  }
  func.func @transform_6(%arg0: i32, %arg1: memref<512xi32, #tpu.memory_space<smem>>, %arg2: memref<512xi32, #tpu.memory_space<smem>>) -> (i32, i32, i32) {
    %mul3A = arith.constant 8 : i32
    %mul3A_0 = arith.muli %arg0, %mul3A : i32
    %add3A = arith.constant 2 : i32
    %add3A_1 = arith.addi %mul3A_0, %add3A : i32
    %get3A = arith.index_cast %add3A_1 : i32 to index
    %get3A_2 = memref.load %arg1[%get3A] : memref<512xi32, #tpu.memory_space<smem>>
    %c0_i32 = arith.constant 0 : i32
    %c0_i32_3 = arith.constant 0 : i32
    %c0_i32_4 = arith.constant 0 : i32
    return %get3A_2, %c0_i32, %c0_i32_3 : i32, i32, i32
  }
  func.func @transform_7(%arg0: i32, %arg1: memref<512xi32, #tpu.memory_space<smem>>, %arg2: memref<512xi32, #tpu.memory_space<smem>>) -> (i32, i32, i32) {
    %mul3A = arith.constant 8 : i32
    %mul3A_0 = arith.muli %arg0, %mul3A : i32
    %add3A = arith.constant 3 : i32
    %add3A_1 = arith.addi %mul3A_0, %add3A : i32
    %get3A = arith.index_cast %add3A_1 : i32 to index
    %get3A_2 = memref.load %arg1[%get3A] : memref<512xi32, #tpu.memory_space<smem>>
    %c0_i32 = arith.constant 0 : i32
    %c0_i32_3 = arith.constant 0 : i32
    %c0_i32_4 = arith.constant 0 : i32
    return %get3A_2, %c0_i32, %c0_i32_3 : i32, i32, i32
  }
  func.func @transform_8(%arg0: i32, %arg1: memref<512xi32, #tpu.memory_space<smem>>, %arg2: memref<512xi32, #tpu.memory_space<smem>>) -> (i32, i32, i32) {
    %mul3A = arith.constant 8 : i32
    %mul3A_0 = arith.muli %arg0, %mul3A : i32
    %add3A = arith.constant 4 : i32
    %add3A_1 = arith.addi %mul3A_0, %add3A : i32
    %get3A = arith.index_cast %add3A_1 : i32 to index
    %get3A_2 = memref.load %arg1[%get3A] : memref<512xi32, #tpu.memory_space<smem>>
    %c0_i32 = arith.constant 0 : i32
    %c0_i32_3 = arith.constant 0 : i32
    %c0_i32_4 = arith.constant 0 : i32
    return %get3A_2, %c0_i32, %c0_i32_3 : i32, i32, i32
  }
  func.func @transform_9(%arg0: i32, %arg1: memref<512xi32, #tpu.memory_space<smem>>, %arg2: memref<512xi32, #tpu.memory_space<smem>>) -> (i32, i32, i32) {
    %mul3A = arith.constant 8 : i32
    %mul3A_0 = arith.muli %arg0, %mul3A : i32
    %add3A = arith.constant 5 : i32
    %add3A_1 = arith.addi %mul3A_0, %add3A : i32
    %get3A = arith.index_cast %add3A_1 : i32 to index
    %get3A_2 = memref.load %arg1[%get3A] : memref<512xi32, #tpu.memory_space<smem>>
    %c0_i32 = arith.constant 0 : i32
    %c0_i32_3 = arith.constant 0 : i32
    %c0_i32_4 = arith.constant 0 : i32
    return %get3A_2, %c0_i32, %c0_i32_3 : i32, i32, i32
  }
  func.func @transform_10(%arg0: i32, %arg1: memref<512xi32, #tpu.memory_space<smem>>, %arg2: memref<512xi32, #tpu.memory_space<smem>>) -> (i32, i32, i32) {
    %mul3A = arith.constant 8 : i32
    %mul3A_0 = arith.muli %arg0, %mul3A : i32
    %add3A = arith.constant 6 : i32
    %add3A_1 = arith.addi %mul3A_0, %add3A : i32
    %get3A = arith.index_cast %add3A_1 : i32 to index
    %get3A_2 = memref.load %arg1[%get3A] : memref<512xi32, #tpu.memory_space<smem>>
    %c0_i32 = arith.constant 0 : i32
    %c0_i32_3 = arith.constant 0 : i32
    %c0_i32_4 = arith.constant 0 : i32
    return %get3A_2, %c0_i32, %c0_i32_3 : i32, i32, i32
  }
  func.func @transform_11(%arg0: i32, %arg1: memref<512xi32, #tpu.memory_space<smem>>, %arg2: memref<512xi32, #tpu.memory_space<smem>>) -> (i32, i32, i32) {
    %mul3A = arith.constant 8 : i32
    %mul3A_0 = arith.muli %arg0, %mul3A : i32
    %add3A = arith.constant 7 : i32
    %add3A_1 = arith.addi %mul3A_0, %add3A : i32
    %get3A = arith.index_cast %add3A_1 : i32 to index
    %get3A_2 = memref.load %arg1[%get3A] : memref<512xi32, #tpu.memory_space<smem>>
    %c0_i32 = arith.constant 0 : i32
    %c0_i32_3 = arith.constant 0 : i32
    %c0_i32_4 = arith.constant 0 : i32
    return %get3A_2, %c0_i32, %c0_i32_3 : i32, i32, i32
  }
  func.func @transform_12(%arg0: i32, %arg1: memref<512xi32, #tpu.memory_space<smem>>, %arg2: memref<512xi32, #tpu.memory_space<smem>>) -> (i32, i32, i32) {
    %c0_i32 = arith.constant 0 : i32
    %c0_i32_0 = arith.constant 0 : i32
    %c0_i32_1 = arith.constant 0 : i32
    return %arg0, %c0_i32, %c0_i32_0 : i32, i32, i32
  }
  func.func @transform_13(%arg0: i32, %arg1: memref<512xi32, #tpu.memory_space<smem>>, %arg2: memref<512xi32, #tpu.memory_space<smem>>) -> (i32, i32) {
    %c0_i32 = arith.constant 0 : i32
    %c0_i32_0 = arith.constant 0 : i32
    return %arg0, %c0_i32 : i32, i32
  }
  func.func @transform_14(%arg0: i32, %arg1: memref<512xi32, #tpu.memory_space<smem>>, %arg2: memref<512xi32, #tpu.memory_space<smem>>) -> (i32, i32) {
    %c0_i32 = arith.constant 0 : i32
    %c0_i32_0 = arith.constant 0 : i32
    return %arg0, %c0_i32 : i32, i32
  }
}

</mosaic_0001>

<sc_bundles>
// kernel: kernel.4.cloned.1.call-start
scs
__scs_entry_jumppad:
0x0: {  	(pc) =	sbr.rel $0x88, $3  }
0x1: {  	(tag) =	ssettag $0x0;
	lr =	simm.s32 $0x1  }
0x2: {  	[smem:$0x3F98] =	sst lr;
	_ =	strace $0xD0000000  }
0x3: {  	_ = 	snop  }
0x4: {  	_ = 	snop  }
0x5: {  	_ = 	snop  }
0x6: {  	_ = 	snop  }
0x7: {  	_ = 	snop  }
__scs_overlays_trampoline_lowered:
0x8: {  	[smem:$0x3FA7] =	sst s0  }
0x9: {  	[smem:$0x3FA8] =	sst s1  }
0xa: {  	[smem:$0x3FA9] =	sst s2  }
0xb: {  	[smem:$0x3FAA] =	sst s3  }
0xc: {  	[smem:$0x3FAB] =	sst s4  }
0xd: {  	[smem:$0x3FAC] =	sst s5  }
0xe: {  	[smem:$0x3FAD] =	sst s6  }
0xf: {  	[smem:$0x3FAE] =	sst s7  }
0x10: {  	[smem:$0x3FAF] =	sst s8  }
0x11: {  	[smem:$0x3FB0] =	sst s9;
	s0 =	simm.s32 @!p0 $0x0  }
0x12: {  	s1 =	sld [smem:$0x3F96];
	s0 =	simm.s32 @p0 $0x1  }
0x13: {  	[smem:$0x3FB1] =	sst s0;
	s0 =	simm.s32 @!p1 $0x0  }
0x14: {  	s2 =	sld [smem:$0x3F95];
	s0 =	simm.s32 @p1 $0x1  }
0x15: {  	[smem:$0x3FB2] =	sst s0;
	s0 =	simm.s32 @!p2 $0x0  }
0x16: {  	s3 =	sld [smem:$0x3FDB];
	s0 =	simm.s32 @p2 $0x1  }
0x17: {  	s4 =	simm.s32 $0x1BF5;
	[smem:$0x3FB4] =	sst s0  }
0x18: {  	s0 =	sld [smem:$0x3F97];
	_ =	swait.ge [sflag:s4], $0x0  }
0x19: {  	s7 =	sld [smem:$0x3F98]  }
0x1a: {  	s8 =	sadd.s32 $0xFFFFE003, lr  }
0x1b: {  	s9 =	sadd.s32 $0xFFFFFEF7, lr;
	s5 =	simm.s32 $0xFFFFFFFF;
	p2 =	slt.u32 s8, $0xFFFFF086  }
0x1c: {  	p1 =	slt.u32 s9, $0xF7A;
	s5 =	simm.s32 @!p2 $0x0  }
0x1d: {  	s5 =	simm.s32 @p1 $0x1;
	p0 =	seq.s32 s7, s2  }
0x1e: {  	s7 =	smul.u32 @!p0 $0xF7A, s2;
	p2 =	seq.s32 @!p0 s5, $0x0  }
0x1f: {  	s9 =	smul.u32 $0xF7A, s1;
	s8 =	simm.s32 @!p0 $0x1BF5;
	p2 =	por !p2, p0  }
0x20: {  	[sflag:s8] =	ssyncset.s32 @!p0 $0xFFFFF086;
	s6 =	sadd.s32 @!p0 s3, s7;
	s7 =	simm.s32 @!p0 $0x108  }
0x21: {  	s3 =	sadd.s32 s3, s9;
	s6 =	sadd.s32 @!p0 $0x88, s6;
	s7 =	simm.s32 @p2 $0x1082  }
0x22: {  	[simem:s7], [sflag:s8] =	dma.local @!p0 [hbm:s6], $0xF7A  }
0x23: {  	s9 =	sor.u32 $0xD0000000, s2;
	s6 =	simm.s32 $0x108;
	_ =	swait.ge @!p0 [sflag:s8], $0x0  }
0x24: {  	s3 =	sadd.s32 $0x88, s3;
	s6 =	simm.s32 @!p1 $0x1082;
	[sflag:s4] =	ssyncset.s32 $0xFFFFF086  }
0x25: {  	[simem:s6], [sflag:s4] =	dma.local [hbm:s3], $0xF7A  }
0x26: {  	[smem:$0x3F98] =	sst s1;
	(tag) =	ssettag s2;
	_ =	strace s9  }
0x27: {  	s1 =	sld [smem:$0x3FA8]  }
0x28: {  	s2 =	sld [smem:$0x3FA9]  }
0x29: {  	s4 =	sld [smem:$0x3FAB]  }
0x2a: {  	p0 =	seq.s32 s5, $0x0;
	s5 =	sld [smem:$0x3FAC]  }
0x2b: {  	s6 =	sld [smem:$0x3FAD]  }
0x2c: {  	s7 =	sld [smem:$0x3FAE]  }
0x2d: {  	s3 =	simm.s32 $0x108;
	s8 =	sld [smem:$0x3FAF]  }
0x2e: {  	s3 =	simm.s32 @!p0 $0x1082;
	s9 =	sld [smem:$0x3FB0]  }
0x2f: {  	lr =	sadd.s32 s0, s3;
	s0 =	sld [smem:$0x3FA7]  }
0x30: {  	s3 =	sld [smem:$0x3FAA]  }
0x31: {  	[smem:$0x3FB3] =	sst s10  }
0x32: {  	s10 =	sld [smem:$0x3FB1];
	_ =	sdelay $0x3  }
0x33: {  	p0 =	seq.s32 s10, $0x1;
	s10 =	sld [smem:$0x3FB3];
	_ =	sdelay $0x3  }
0x34: {  	[smem:$0x3FB3] =	sst s10  }
0x35: {  	s10 =	sld [smem:$0x3FB2];
	_ =	sdelay $0x3  }
0x36: {  	p1 =	seq.s32 s10, $0x1;
	s10 =	sld [smem:$0x3FB3];
	_ =	sdelay $0x3  }
0x37: {  	[smem:$0x3FB3] =	sst s10  }
0x38: {  	s10 =	sld [smem:$0x3FB4]  }
0x39: {  	_ = 	snop;
	(pc) =	sbr.ind lr, $3  }
0x3a: {  	_ = 	snop  }
0x3b: {  	_ = 	snop  }
0x3c: {  	p2 =	seq.s32 s10, $0x1;
	s10 =	sld [smem:$0x3FB3]  }
0x3d: {  	_ =	shalt  }
0x3e: {  	_ =	shalt  }
0x3f: {  	_ =	shalt  }
0x40: {  	_ =	shalt  }
0x41: {  	_ =	shalt  }
0x42: {  	_ =	shalt  }
0x43: {  	_ =	shalt  }
0x44: {  	_ =	shalt  }
0x45: {  	_ =	shalt  }
0x46: {  	_ =	shalt  }
0x47: {  	_ =	shalt  }
0x48: {  	_ =	shalt  }
0x49: {  	_ =	shalt  }
0x4a: {  	_ =	shalt  }
0x4b: {  	_ =	shalt  }
0x4c: {  	_ =	shalt  }
0x4d: {  	_ =	shalt  }
0x4e: {  	_ =	shalt  }
0x4f: {  	_ =	shalt  }
0x50: {  	_ =	shalt  }
0x51: {  	_ =	shalt  }
0x52: {  	_ =	shalt  }
0x53: {  	_ =	shalt  }
0x54: {  	_ =	shalt  }
0x55: {  	_ =	shalt  }
0x56: {  	_ =	shalt  }
0x57: {  	_ =	shalt  }
0x58: {  	_ =	shalt  }
0x59: {  	_ =	shalt  }
0x5a: {  	_ =	shalt  }
0x5b: {  	_ =	shalt  }
0x5c: {  	_ =	shalt  }
0x5d: {  	_ =	shalt  }
0x5e: {  	_ =	shalt  }
0x5f: {  	_ =	shalt  }
0x60: {  	_ =	shalt  }
0x61: {  	_ =	shalt  }
0x62: {  	_ =	shalt  }
0x63: {  	_ =	shalt  }
0x64: {  	_ =	shalt  }
0x65: {  	_ =	shalt  }
0x66: {  	_ =	shalt  }
0x67: {  	_ =	shalt  }
0x68: {  	_ =	shalt  }
0x69: {  	_ =	shalt  }
0x6a: {  	_ =	shalt  }
0x6b: {  	_ =	shalt  }
0x6c: {  	_ =	shalt  }
0x6d: {  	_ =	shalt  }
0x6e: {  	_ =	shalt  }
0x6f: {  	_ =	shalt  }
0x70: {  	_ =	shalt  }
0x71: {  	_ =	shalt  }
0x72: {  	_ =	shalt  }
0x73: {  	_ =	shalt  }
0x74: {  	_ =	shalt  }
0x75: {  	_ =	shalt  }
0x76: {  	_ =	shalt  }
0x77: {  	_ =	shalt  }
0x78: {  	_ =	shalt  }
0x79: {  	_ =	shalt  }
0x7a: {  	_ =	shalt  }
0x7b: {  	_ =	shalt  }
0x7c: {  	_ =	shalt  }
0x7d: {  	_ =	shalt  }
0x7e: {  	_ =	shalt  }
0x7f: {  	_ =	shalt  }
0x80: {  	_ =	shalt  }
0x81: {  	_ =	shalt  }
0x82: {  	_ =	shalt  }
0x83: {  	_ =	shalt  }
0x84: {  	_ =	shalt  }
0x85: {  	_ =	shalt  }
0x86: {  	_ =	shalt  }
0x87: {  	_ =	shalt  }
.Lfunc_end0:
.L_simem_size_0:
called_computation_lowered:
.L_overlay_start_0:
0x88: {  	s2 =	sld [smem:$0x3FD9]  }
0x89: {  	s3 =	sld [smem:$0x3FFE];
	_ =	sdelay $0x1  }
0x8a: {  	s1 =	srdreg.scid  }
0x8b: {  	s0 =	sand.u32 $0x1, s1  }
0x8c: {  	s15 =	sshll.u32 s0, $0xA;
	s2 =	sadd.s32 s3, s2  }
0x8d: {  	s2 =	sadd.s32 s2, s15  }
0x8e: {  	[smem:$0x3FBF] =	sst s2  }
0x8f: {  	_ = 	snop  }
0x90: {  	s2 =	sld [smem:$0x3FC5]  }
0x91: {  	s16 =	sld [smem:$0x3FC4]  }
0x92: {  	s4 =	sld [smem:$0x3FD0]  }
0x93: {  	s5 =	sld [smem:$0x3FC3]  }
0x94: {  	s6 =	sld [smem:$0x3FC2]  }
0x95: {  	s8 =	simm.s32 $0xA;
	s9 =	simm.s32 $0x10;
	s7 =	sld [smem:$0x3FC1]  }
0x96: {  	[smem:s9], [sflag:s8] =	dma.local [hbm:s4], $0x1  }
0x97: {  	_ =	swait.eq [sflag:s8], $0x1  }
0x98: {  	s17 =	sld [smem:$0x12];
	[sflag:s8] =	ssyncset.done $0x0  }
0x99: {  	s18 =	sld [smem:$0x13];
	[sflag:s8] =	ssyncadd.s32 $0xFFFFFFFF  }
0x9a: {  	s19 =	sld [smem:$0x14];
	(tm) =	ssettm $0x1  }
0x9b: {  	s10 =	sld [smem:$0x3FFB];
	_ =	sdelay $0x3  }
0x9c: {  	_ =	strace s10  }
0x9d: {  	s10 =	sld [smem:$0x3FFC];
	_ =	sdelay $0x3  }
0x9e: {  	_ =	strace s10  }
0x9f: {  	s10 =	sld [smem:$0x3FFD];
	_ =	sdelay $0x3  }
0xa0: {  	_ =	strace s10  }
0xa1: {  	_ =	strace $0x8FFFFFFF  }
0xa2: {  	s20 =	sld [smem:$0x3FDB];
	_ =	sdelay $0x1  }
0xa3: {  	s11 =	simm.s32 $_scs_section_size  }
0xa4: {  	s12 =	simm.s32 $_size__tile_overlayer_lowered;
	s13 =	simm.s32 $_tile_overlayer_lowered  }
0xa5: {  	s23 =	simm.s32 $0x1BFF;
	s22 =	sshll.u32 s13, $0x1;
	s10 =	sadd.s32 s11, s20  }
0xa6: {  	s14 =	simm.s32 $0x0;
	s21 =	sshll.u32 s12, $0x1;
	s12 =	sadd.s32 s22, s10  }
0xa7: {  	[timem:s14], [sflag:s23] =	dma.local [hbm:s12], s21  }
0xa8: {  	_ =	swait.ge [sflag:s23], s21  }
0xa9: {  	s11 =	ssub.s32 $0x0, s21;
	[sflag:s23] =	ssyncset.done $0x0  }
0xaa: {  	[sflag:s23] =	ssyncadd.s32 s11;
	_ =	sdelay $0x1  }
0xab: {  	s24 =	simm.s32 $0x1B8B  }
0xac: {  	_ =	swait.ge [sflag:s24], $0x1  }
0xad: {  	[sflag:s24] =	ssyncset.done $0x0  }
0xae: {  	s25 =	simm.s32 $0x1B8E;
	[sflag:s24] =	ssyncadd.s32 $0xFFFFFFFF  }
0xaf: {  	s26 =	simm.s32 $execute0_lowered;
	[smem:$0x3FD2] =	sst s25  }
0xb0: {  	s11 =	sshll.u32 s26, $0x1;
	_ =	strace $0x80000046;
	[dreg:$0x1] =	wrdreg $0xFFFFFFFF  }
0xb1: {  	s28 =	simm.s32 $_size_execute0_lowered;
	s10 =	sadd.s32 s10, s11;
	[dreg:$0x0] =	wrdreg $0x0  }
0xb2: {  	s11 =	sshll.u32 s28, $0x1;
	[dreg:$0x2] =	wrdreg s10  }
0xb3: {  	[dreg:$0x3] =	wrdreg s11  }
0xb4: {  	[dreg:$0x4] =	wrdreg $0xC0  }
0xb5: {  	_ =	task [dreg:s14], $0x5FFFF  }
0xb6: {  	[dreg:$0x1] =	wrdreg $0xFFFFFFFF  }
0xb7: {  	[dreg:$0x0] =	wrdreg $0x60  }
0xb8: {  	[dreg:$0x2] =	wrdreg s2  }
0xb9: {  	[dreg:$0x3] =	wrdreg s16  }
0xba: {  	[dreg:$0x4] =	wrdreg s5  }
0xbb: {  	[dreg:$0x5] =	wrdreg s6  }
0xbc: {  	[dreg:$0x6] =	wrdreg s7  }
0xbd: {  	[dreg:$0x7] =	wrdreg s17  }
0xbe: {  	[dreg:$0x8] =	wrdreg s18  }
0xbf: {  	[dreg:$0x9] =	wrdreg s19  }
0xc0: {  	[dreg:$0xa] =	wrdreg $0x9  }
0xc1: {  	_ =	task.clear_ibuf [dreg:s14], $0xBFFFF;
	_ =	strace $0x90000046  }
0xc2: {  	s29 =	simm.s32 $0x9;
	_ =	strace $0x80000048  }
0xc3: {  	_ =	swait.ge [sflag:s29], $0x1  }
0xc4: {  	[sflag:s29] =	ssyncadd.s32 $0xFFFFFFFF  }
0xc5: {  	_ =	strace $0x90000048  }
0xc6: {  	_ =	sfence  }
0xc7: {  	s30 =	sld [smem:$0x0];
	_ =	sdelay $0x2  }
0xc8: {  	s31 =	sshll.u32 s1, $0xD;
	s1 =	sshrl.u32 s1, $0x2  }
0xc9: {  	s3 =	sand.u32 $0x4000, s31;
	s1 =	sadd.s32 s1, s30  }
0xca: {  	s0 =	sor.u32 s3, s0;
	s1 =	sshll.u32 s1, $0x11  }
0xcb: {  	s0 =	sor.u32 s1, s0  }
0xcc: {  	s0 =	sadd.s32 $0x8F2B, s0  }
0xcd: {  	[sflag:s0] =	ssyncadd.remote.s32 $0x1  }
0xce: {  	_ =	sfence.sel $0xFFFF  }
0xcf: {  	[dreg:$0x0] =	wrdreg $0xFFFFFFFF;
	(pc) =	sbr.abs _section_cstart, $3  }
0xd0: {  	[dreg:$0x1] =	wrdreg $0xFFFFFFFF  }
0xd1: {  	_ =	task.clear_ibuf [dreg:s14], $0x2FFFF;
	_ =	strace $0x9FFFFFFF  }
0xd2: {  	(tm) =	ssettm $0x7FFFFFFF  }
0xd3: {  	_ =	shalt  }
tec
execute0_lowered:
.L_overlay_start_1:
0x0: {  	(tag) =	ssettag $0x1  }
0x1: {  	s0 =	rddreg [dreg:$0x0]  }
0x2: {  	s2 =	rddreg [dreg:$0x1]  }
0x3: {  	s3 =	rddreg [dreg:$0x3]  }
0x4: {  	s4 =	rddreg [dreg:$0x4]  }
0x5: {  	s5 =	rddreg [dreg:$0x5]  }
0x6: {  	s10 =	rddreg [dreg:$0x6]  }
0x7: {  	s8 =	rddreg [dreg:$0x7]  }
0x8: {  	s6 =	srdreg.scid;
	s1 =	stileid.u32  }
0x9: {  	s13 =	simm.s32 $0x2;
	s14 =	simm.s32 $0x5000;
	s15 =	simm.s32 $0xC000  }
0xa: {  	s16 =	simm.s32 $0xC200;
	s17 =	simm.s32 $0xC210;
	s18 =	simm.s32 $0xC220  }
0xb: {  	s19 =	simm.s32 $0x80;
	s20 =	simm.s32 $0x6000;
	s21 =	simm.s32 $0x1  }
0xc: {  	s23 =	simm.s32 $0xC2A0;
	s24 =	simm.s32 $0xC320;
	s25 =	simm.s32 $0xC3A0  }
0xd: {  	s26 =	simm.s32 $0x2000;
	s28 =	simm.s32 $0x0;
	s7 =	sand.u32 $0x1, s6  }
0xe: {  	s6 =	simm.s32 $0x0;
	s12 =	sshll.u32 s1, $0x1;
	s9 =	ssub.s32 $0x2, s7  }
0xf: {  	[smem:$0x7FF] =	sst s6;
	s7 =	sor.u32 s7, s12;
	s11 =	sshrl.u32 s9, $0x1  }
0x10: {  	_ =	strace $0x80000047;
	s22 =	sshll.u32 s7, $0x4;
	s31 =	sshll.u32 s7, $0x1  }
0x11: {  	s12 =	sshll.u32 s7, $0xA;
	s11 =	ssub.s32 s9, s11;
	s7 =	sadd.s32 s2, s31  }
0x12: {  	v1 =	vimm.s32 $0x0;
	v2 =	vlaneseq.u32;
	s8 =	sadd.s32 s8, s12;
	s9 =	sadd.s32 s5, s12;
	s10 =	sadd.s32 s10, s12  }
0x13: {  	v3 =	vimm.f32 $-1.000000000e+00;
	v4 =	vimm.f32 $1.000000000e+00;
	s12 =	simm.s32 $0x4000;
	v0 =	vmov s22;
	s22 =	simm.s32 $0xA000;
	s11 =	smax.u32 s11, $0x1  }
.LBB2_1:
0x14: {  	[tilespmem:s12], [sflag:$0x2] =	stream.linear.gather [hbm4b:s3+s6], $0x1000, $0x38;
	[tilespmem:$0xC420] =	vst v63  }
0x15: {  	_ =	swait.ge [sflag:s13], $0x1000  }
0x16: {  	[sflag:s13] =	ssyncset.done $0x0  }
0x17: {  	[sflag:s13] =	ssyncadd.s32 $0xFFFFF000  }
0x18: {  	[tilespmem:s14], [sflag:$0x2] =	stream.linear.gather [hbm4b:s4+s6], $0x1000, $0x38;
	[tilespmem:$0xC420] =	vst v63  }
0x19: {  	_ =	swait.ge [sflag:s13], $0x1000  }
0x1a: {  	[sflag:s13] =	ssyncset.done $0x0  }
0x1b: {  	[sflag:s13] =	ssyncadd.s32 $0xFFFFF000  }
0x1c: {  	s1 =	rddreg [dreg:$0x2]  }
0x1d: {  	[tilespmem:s15], [sflag:$0x2] =	stream.linear.gather [hbm4b:s1+s6], $0x200, $0x38;
	[tilespmem:$0xC420] =	vst v63  }
0x1e: {  	_ =	swait.ge [sflag:s13], $0x200  }
0x1f: {  	[sflag:s13] =	ssyncset.done $0x0  }
0x20: {  	[sflag:s13] =	ssyncadd.s32 $0xFFFFFE00  }
0x21: {  	[tilespmem:s16], [sflag:$0x2] =	stream.linear.gather [hbm4b:s7+s6], $0x10, $0x38;
	[tilespmem:$0xC420] =	vst v63  }
0x22: {  	_ =	swait.ge [sflag:s13], $0x10  }
0x23: {  	[sflag:s13] =	ssyncset.done $0x0  }
0x24: {  	[sflag:s13] =	ssyncadd.s32 $0xFFFFFFF0  }
0x25: {  	v5 =	vld [tilespmem:$0xC200];
	_ =	sdelay $0x4  }
0x26: {  	v6 =	vshra.s32 v5, $0x1F  }
0x27: {  	v6 =	vshrl.u32 v6, $0x1D  }
0x28: {  	v7 =	vor.u32 s6, v2;
	v6 =	vadd.s32 v6, v5  }
0x29: {  	v8 =	vmov s6;
	v10 =	vand.u32 $0x1F, v7;
	v6 =	vshra.s32 v6, $0x3  }
0x2a: {  	vm0 =	veq.s32 v8, v2;
	vm1 =	vne.s32 v10, $0x0;
	v9 =	vshll.u32 v6, $0x3  }
0x2b: {  	vm1 =	vmand vm0, vm1;
	vm2 =	vlt.s32 v5, $0x1;
	vm3 =	vne.s32 v5, v9  }
0x2c: {  	v8 =	vshrl.u32 v8, $0x5;
	v9 =	vsel vm1, $0xFFFFFFFF, v1;
	vm2 =	vmand vm2, vm3  }
0x2d: {  	v7 =	vand.u32 $0x7F, v7;
	v8 =	vadd.s32 v9, v8;
	v11 =	vsel vm2, $0xFFFFFFFF, v1  }
0x2e: {  	vm12 =	vne.s32 v7, $0x0;
	v6 =	vadd.s32 v11, v6  }
0x2f: {  	s29 =	simm.s32 $0x10;
	vm0 =	vmand vm0, vm12;
	v5 =	vand.u32 $0x7, v5;
	v6 =	vshll.u32 v6, $0x8  }
0x30: {  	v9 =	vsel vm0, $0xFFFFFFFF, v1;
	v5 =	vor.u32 v5, v6;
	v6 =	vor.u32 s29, v2  }
0x31: {  	v9 =	vshll.u32 v9, $0x7;
	v11 =	vmov s29;
	[tilespmem:$0xC210] =	vst v5;
	v5 =	vand.u32 $0x1F, v6  }
0x32: {  	vm13 =	veq.s32 v11, v2;
	vm14 =	vne.s32 v5, $0x0;
	v12 =	vld.idx.msk [tilespmem:v8+s17+$0x0], $0xffff;
	v8 =	vadd.s32 s6, v9  }
0x33: {  	vm1 =	vmand vm13, vm14;
	v8 =	vand.u32 $0xFFFFFF80, v8  }
0x34: {  	v11 =	vshrl.u32 v11, $0x5;
	v13 =	vsel vm1, $0xFFFFFFFF, v1;
	v9 =	vor.u32 v7, v8  }
0x35: {  	v6 =	vand.u32 $0x7F, v6;
	v8 =	vadd.s32 v13, v11  }
0x36: {  	vm15 =	vne.s32 v6, $0x0  }
0x37: {  	s30 =	simm.s32 $0x20;
	vm0 =	vmand vm13, vm15;
	v11 =	vshll.u32 v10, $0x3  }
0x38: {  	s2 =	simm.s32 $0x30;
	v7 =	vor.u32 s30, v2;
	v10 =	vsel vm0, $0xFFFFFFFF, v1;
	v11 =	vadd.s32 v11, v12  }
.LBB2_2:
0x39: {  	p0 =	sne.s32 s2, $0x1F0;
	v12 =	vmov s30;
	v13 =	vand.u32 $0x1F, v7;
	v10 =	vshll.u32 v10, $0x7;
	[tilespmem:v9+s18+$0x0] =	vst.idx.msk $0xffff, v11  }
0x3a: {  	vm0 =	veq.s32 v12, v2;
	vm1 =	vne.s32 v13, $0x0;
	v11 =	vld.idx.msk [tilespmem:v8+s17+$0x0], $0xffff;
	v8 =	vadd.s32 s29, v10;
	s29 =	smov.u32 s30;
	s30 =	smov.u32 s2  }
0x3b: {  	vm1 =	vmand vm0, vm1;
	v8 =	vand.u32 $0xFFFFFF80, v8  }
.Ltmp0:
0x3c: {  	v10 =	vshrl.u32 v12, $0x5;
	v12 =	vsel vm1, $0xFFFFFFFF, v1;
	v9 =	vor.u32 v6, v8;
	(pc) =	sbr.rel @p0 .LBB2_2-.Ltmp0, $4  }
0x3d: {  	v6 =	vand.u32 $0x7F, v7;
	v8 =	vadd.s32 v12, v10  }
0x3e: {  	vm1 =	vne.s32 v6, $0x0  }
0x3f: {  	v12 =	vshll.u32 v5, $0x3;
	v5 =	vmov v13;
	vm0 =	vmand vm0, vm1  }
0x40: {  	s2 =	sadd.s32 $0x10, s2;
	v7 =	vor.u32 s30, v2;
	v10 =	vsel vm0, $0xFFFFFFFF, v1;
	v11 =	vadd.s32 v12, v11  }
0x41: {  	_ =	sdelay $0x2  }
0x42: {  	v12 =	vmov s30;
	v13 =	vand.u32 $0x1F, v7;
	v10 =	vshll.u32 v10, $0x7  }
0x43: {  	[tilespmem:v9+s18+$0x0] =	vst.idx.msk $0xffff, v11;
	vm0 =	veq.s32 v12, v2;
	vm1 =	vne.s32 v13, $0x0;
	v59 =	vadd.s32 s29, v10  }
0x44: {  	v7 =	vand.u32 $0x7F, v7;
	v8 =	vld.idx.msk [tilespmem:v8+s17+$0x0], $0xffff;
	vm1 =	vmand vm0, vm1;
	v9 =	vand.u32 $0xFFFFFF80, v59  }
0x45: {  	v60 =	vshrl.u32 v12, $0x5;
	v61 =	vsel vm1, $0xFFFFFFFF, v1;
	v6 =	vor.u32 v6, v9  }
0x46: {  	vm13 =	vne.s32 v7, $0x0;
	v62 =	vadd.s32 v61, v60  }
0x47: {  	vm0 =	vmand vm0, vm13  }
0x48: {  	v5 =	vshll.u32 v5, $0x3;
	v63 =	vsel vm0, $0xFFFFFFFF, v1  }
0x49: {  	v5 =	vadd.s32 v5, v8;
	v8 =	vshll.u32 v63, $0x7  }
0x4a: {  	[tilespmem:v6+s18+$0x0] =	vst.idx.msk $0xffff, v5;
	v5 =	vadd.s32 s30, v8  }
0x4b: {  	v6 =	vld.idx.msk [tilespmem:v62+s17+$0x0], $0xffff;
	v5 =	vand.u32 $0xFFFFFF80, v5  }
0x4c: {  	v5 =	vor.u32 v7, v5;
	_ =	sdelay $0x2  }
0x4d: {  	v7 =	vshll.u32 v13, $0x3  }
0x4e: {  	v6 =	vadd.s32 v7, v6  }
0x4f: {  	[tilespmem:v5+s18+$0x0] =	vst.idx.msk $0xffff, v6  }
0x50: {  	[tilespmem:s20], [sflag:$0x1] =	stream.indirect.gather [hbm4b:s0+s19], $0x80, s18, s19, $0xb8;
	[tilespmem:$0xC420] =	vst v63  }
0x51: {  	s29 =	simm.s32 $0x0;
	_ =	swait.ge [sflag:s21], $0x4000  }
0x52: {  	s2 =	sand.u32 $0x7C0, s29;
	[sflag:s21] =	ssyncset.done $0x0  }
0x53: {  	s2 =	sshrl.u32 s2, $0x2;
	[sflag:s21] =	ssyncadd.s32 $0xFFFFC000  }
0x54: {  	v5 =	vld [tilespmem:s2+$0xC000];
	_ =	sdelay $0x4  }
0x55: {  	v6 =	vshra.s32 v5, $0x1F  }
0x56: {  	v6 =	vshrl.u32 v6, $0x19  }
0x57: {  	v6 =	vadd.s32 v6, v5  }
0x58: {  	v6 =	vshra.s32 v6, $0x7  }
0x59: {  	v7 =	vshll.u32 v6, $0x7  }
0x5a: {  	vm14 =	vlt.s32 v5, $0x1;
	vm15 =	vne.s32 v5, v7  }
0x5b: {  	s5 =	sand.u32 $0x60, s29;
	vm0 =	vmand vm14, vm15  }
0x5c: {  	v6 =	vadd.s32 s5, v6;
	v7 =	vsel vm0, $0xFFFFFFFF, v1  }
0x5d: {  	v6 =	vadd.s32 v7, v6  }
0x5e: {  	v5 =	vand.u32 $0x7F, v5;
	v6 =	vshll.u32 v6, $0x7  }
0x5f: {  	v5 =	vor.u32 v5, v6  }
0x60: {  	s1 =	simm.s32 $0x0;
	s5 =	sand.u32 $0x18, s29  }
0x61: {  	s2 =	sor.u32 s1, s5  }
0x62: {  	s1 =	sand.u32 $0x70, s29;
	s2 =	sshll.u32 s2, $0x7  }
0x63: {  	s2 =	sor.u32 s1, s2  }
0x64: {  	v6 =	vor.u32 s2, v2;
	v5 =	vld.idx.msk [tilespmem:v5+s20+$0x0], $0xffff;
	_ =	sdelay $0x2  }
0x65: {  	s31 =	simm.s32 $0x40  }
0x66: {  	s30 =	simm.s32 $0x1;
	s5 =	sand.u32 $0x7C0, s31;
	s2 =	simm.s32 $0x2  }
.LBB2_4:
0x67: {  	p0 =	sne.s32 s2, $0x7F;
	s5 =	sshrl.u32 s5, $0x2;
	[tilespmem:v6+s22+$0x0] =	vst.idx.msk $0xffff, v5  }
0x68: {  	v5 =	vld [tilespmem:s5+$0xC000];
	_ =	sdelay $0x4  }
0x69: {  	v6 =	vshra.s32 v5, $0x1F  }
0x6a: {  	v6 =	vshrl.u32 v6, $0x19  }
0x6b: {  	v6 =	vadd.s32 v6, v5  }
0x6c: {  	v6 =	vshra.s32 v6, $0x7  }
0x6d: {  	v7 =	vshll.u32 v6, $0x7  }
0x6e: {  	vm0 =	vlt.s32 v5, $0x1;
	vm1 =	vne.s32 v5, v7  }
0x6f: {  	s5 =	sand.u32 $0x60, s30;
	vm0 =	vmand vm0, vm1  }
0x70: {  	v6 =	vadd.s32 s5, v6;
	v7 =	vsel vm0, $0xFFFFFFFF, v1  }
0x71: {  	v6 =	vadd.s32 v7, v6  }
0x72: {  	v5 =	vand.u32 $0x7F, v5;
	v6 =	vshll.u32 v6, $0x7  }
0x73: {  	v5 =	vor.u32 v5, v6;
	_ =	sdelay $0x1  }
0x74: {  	s1 =	sand.u32 $0x18, s30;
	s5 =	sshrl.u32 s30, $0x5;
	s30 =	smov.u32 s2  }
0x75: {  	s29 =	sadd.s32 $0x10, s29;
	s1 =	sor.u32 s5, s1  }
0x76: {  	s5 =	sand.u32 $0x70, s29;
	s1 =	sshll.u32 s1, $0x7  }
0x77: {  	s1 =	sor.u32 s5, s1;
	v5 =	vld.idx.msk [tilespmem:v5+s20+$0x0], $0xffff  }
.Ltmp1:
0x78: {  	v6 =	vor.u32 s1, v2;
	(pc) =	sbr.rel @p0 .LBB2_4-.Ltmp1, $3  }
0x79: {  	_ =	sdelay $0x1  }
0x7a: {  	s31 =	sadd.s32 $0x40, s31  }
0x7b: {  	s2 =	sadd.s32 $0x1, s2;
	s5 =	sand.u32 $0x7C0, s31  }
0x7c: {  	_ =	sdelay $0x3  }
0x7d: {  	s1 =	sshrl.u32 s5, $0x2;
	[tilespmem:v6+s22+$0x0] =	vst.idx.msk $0xffff, v5  }
0x7e: {  	v5 =	vld [tilespmem:s1+$0xC000];
	_ =	sdelay $0x4  }
0x7f: {  	v6 =	vshra.s32 v5, $0x1F  }
0x80: {  	v6 =	vshrl.u32 v6, $0x19  }
0x81: {  	v6 =	vadd.s32 v6, v5  }
0x82: {  	v6 =	vshra.s32 v6, $0x7  }
0x83: {  	v7 =	vshll.u32 v6, $0x7  }
0x84: {  	vm0 =	vlt.s32 v5, $0x1;
	vm1 =	vne.s32 v5, v7  }
0x85: {  	s2 =	sand.u32 $0x60, s30;
	vm0 =	vmand vm0, vm1  }
0x86: {  	v6 =	vadd.s32 s2, v6;
	v7 =	vsel vm0, $0xFFFFFFFF, v1  }
0x87: {  	v6 =	vadd.s32 v7, v6  }
0x88: {  	v5 =	vand.u32 $0x7F, v5;
	v6 =	vshll.u32 v6, $0x7  }
0x89: {  	v5 =	vor.u32 v5, v6  }
0x8a: {  	s5 =	sshrl.u32 s30, $0x5;
	s2 =	sand.u32 $0x18, s30  }
0x8b: {  	s1 =	sor.u32 s5, s2;
	s5 =	sadd.s32 $0x10, s29  }
0x8c: {  	s2 =	sand.u32 $0x70, s5;
	s1 =	sshll.u32 s1, $0x7  }
0x8d: {  	s1 =	sor.u32 s2, s1  }
0x8e: {  	v6 =	vor.u32 s1, v2;
	v5 =	vld.idx.msk [tilespmem:v5+s20+$0x0], $0xffff;
	_ =	sdelay $0x4  }
0x8f: {  	[tilespmem:v6+s22+$0x0] =	vst.idx.msk $0xffff, v5  }
0x90: {  	[tilespmem:s20], [sflag:$0x1] =	stream.indirect.gather [hbm4b:s0+s19], $0x80, s23, s19, $0xb8;
	[tilespmem:$0xC420] =	vst v63  }
0x91: {  	s29 =	simm.s32 $0x0;
	_ =	swait.ge [sflag:s21], $0x4000  }
0x92: {  	s2 =	sand.u32 $0x7C0, s29;
	[sflag:s21] =	ssyncset.done $0x0  }
0x93: {  	s1 =	sshrl.u32 s2, $0x2;
	[sflag:s21] =	ssyncadd.s32 $0xFFFFC000  }
0x94: {  	v5 =	vld [tilespmem:s1+$0xC000];
	_ =	sdelay $0x4  }
0x95: {  	v6 =	vshra.s32 v5, $0x1F  }
0x96: {  	v6 =	vshrl.u32 v6, $0x19  }
0x97: {  	v6 =	vadd.s32 v6, v5  }
0x98: {  	v6 =	vshra.s32 v6, $0x7  }
0x99: {  	v7 =	vshll.u32 v6, $0x7  }
0x9a: {  	vm14 =	vlt.s32 v5, $0x1;
	vm15 =	vne.s32 v5, v7  }
0x9b: {  	s5 =	sand.u32 $0x60, s29;
	vm0 =	vmand vm14, vm15  }
0x9c: {  	v6 =	vadd.s32 s5, v6;
	v7 =	vsel vm0, $0xFFFFFFFF, v1  }
0x9d: {  	v6 =	vadd.s32 v7, v6  }
0x9e: {  	v5 =	vand.u32 $0x7F, v5;
	v6 =	vshll.u32 v6, $0x7  }
0x9f: {  	s2 =	simm.s32 $0x0;
	s5 =	sand.u32 $0x18, s29;
	v5 =	vor.u32 v5, v6  }
0xa0: {  	s1 =	sor.u32 s5, s2  }
0xa1: {  	s5 =	sand.u32 $0x70, s29;
	s1 =	sshll.u32 s1, $0x7  }
0xa2: {  	s1 =	sor.u32 s5, s1  }
0xa3: {  	s1 =	sor.u32 $0x200, s1  }
0xa4: {  	v6 =	vor.u32 s1, v2;
	v5 =	vld.idx.msk [tilespmem:v5+s20+$0x0], $0xffff;
	_ =	sdelay $0x2  }
0xa5: {  	s31 =	simm.s32 $0x40  }
0xa6: {  	s30 =	simm.s32 $0x1;
	s2 =	simm.s32 $0x2;
	s5 =	sand.u32 $0x7C0, s31  }
.LBB2_6:
0xa7: {  	p0 =	sne.s32 s2, $0x7F;
	s1 =	sshrl.u32 s5, $0x2;
	[tilespmem:v6+s22+$0x0] =	vst.idx.msk $0xffff, v5  }
0xa8: {  	v5 =	vld [tilespmem:s1+$0xC000];
	_ =	sdelay $0x4  }
0xa9: {  	v6 =	vshra.s32 v5, $0x1F  }
0xaa: {  	v6 =	vshrl.u32 v6, $0x19  }
0xab: {  	v6 =	vadd.s32 v6, v5  }
0xac: {  	v6 =	vshra.s32 v6, $0x7  }
0xad: {  	v7 =	vshll.u32 v6, $0x7  }
0xae: {  	vm0 =	vlt.s32 v5, $0x1;
	vm1 =	vne.s32 v5, v7  }
0xaf: {  	s1 =	sand.u32 $0x60, s30;
	vm0 =	vmand vm0, vm1  }
0xb0: {  	v6 =	vadd.s32 s1, v6;
	v7 =	vsel vm0, $0xFFFFFFFF, v1  }
0xb1: {  	v6 =	vadd.s32 v7, v6  }
0xb2: {  	v5 =	vand.u32 $0x7F, v5;
	v6 =	vshll.u32 v6, $0x7  }
0xb3: {  	v5 =	vor.u32 v5, v6  }
0xb4: {  	s5 =	sand.u32 $0x18, s30;
	s1 =	sshrl.u32 s30, $0x5;
	s30 =	smov.u32 s2  }
0xb5: {  	s29 =	sadd.s32 $0x10, s29;
	s1 =	sor.u32 s5, s1  }
0xb6: {  	s5 =	sand.u32 $0x70, s29;
	s1 =	sshll.u32 s1, $0x7  }
0xb7: {  	s1 =	sor.u32 s5, s1  }
0xb8: {  	s1 =	sor.u32 $0x200, s1;
	v5 =	vld.idx.msk [tilespmem:v5+s20+$0x0], $0xffff  }
.Ltmp2:
0xb9: {  	v6 =	vor.u32 s1, v2;
	(pc) =	sbr.rel @p0 .LBB2_6-.Ltmp2, $3  }
0xba: {  	_ =	sdelay $0x1  }
0xbb: {  	s31 =	sadd.s32 $0x40, s31  }
0xbc: {  	s2 =	sadd.s32 $0x1, s2;
	s5 =	sand.u32 $0x7C0, s31  }
0xbd: {  	_ =	sdelay $0x3  }
0xbe: {  	s1 =	sshrl.u32 s5, $0x2;
	[tilespmem:v6+s22+$0x0] =	vst.idx.msk $0xffff, v5  }
0xbf: {  	v5 =	vld [tilespmem:s1+$0xC000];
	_ =	sdelay $0x4  }
0xc0: {  	v6 =	vshra.s32 v5, $0x1F  }
0xc1: {  	v6 =	vshrl.u32 v6, $0x19  }
0xc2: {  	v6 =	vadd.s32 v6, v5  }
0xc3: {  	v6 =	vshra.s32 v6, $0x7  }
0xc4: {  	v7 =	vshll.u32 v6, $0x7  }
0xc5: {  	vm0 =	vlt.s32 v5, $0x1;
	vm1 =	vne.s32 v5, v7  }
0xc6: {  	s2 =	sand.u32 $0x60, s30;
	vm0 =	vmand vm0, vm1  }
0xc7: {  	v6 =	vadd.s32 s2, v6;
	v7 =	vsel vm0, $0xFFFFFFFF, v1  }
0xc8: {  	v6 =	vadd.s32 v7, v6  }
0xc9: {  	v5 =	vand.u32 $0x7F, v5;
	v6 =	vshll.u32 v6, $0x7  }
0xca: {  	s5 =	sshrl.u32 s30, $0x5;
	s2 =	sand.u32 $0x18, s30;
	v5 =	vor.u32 v5, v6  }
0xcb: {  	s1 =	sor.u32 s2, s5;
	s5 =	sadd.s32 $0x10, s29  }
0xcc: {  	s1 =	sshll.u32 s1, $0x7;
	s2 =	sand.u32 $0x70, s5  }
0xcd: {  	s1 =	sor.u32 s2, s1  }
0xce: {  	s1 =	sor.u32 $0x200, s1  }
0xcf: {  	v6 =	vor.u32 s1, v2;
	v5 =	vld.idx.msk [tilespmem:v5+s20+$0x0], $0xffff;
	_ =	sdelay $0x4  }
0xd0: {  	[tilespmem:v6+s22+$0x0] =	vst.idx.msk $0xffff, v5  }
0xd1: {  	[tilespmem:s20], [sflag:$0x1] =	stream.indirect.gather [hbm4b:s0+s19], $0x80, s24, s19, $0xb8;
	[tilespmem:$0xC420] =	vst v63  }
0xd2: {  	s29 =	simm.s32 $0x0;
	_ =	swait.ge [sflag:s21], $0x4000  }
0xd3: {  	s2 =	sand.u32 $0x7C0, s29;
	[sflag:s21] =	ssyncset.done $0x0  }
0xd4: {  	s1 =	sshrl.u32 s2, $0x2;
	[sflag:s21] =	ssyncadd.s32 $0xFFFFC000  }
0xd5: {  	v5 =	vld [tilespmem:s1+$0xC000];
	_ =	sdelay $0x4  }
0xd6: {  	v6 =	vshra.s32 v5, $0x1F  }
0xd7: {  	v6 =	vshrl.u32 v6, $0x19  }
0xd8: {  	v6 =	vadd.s32 v6, v5  }
0xd9: {  	v6 =	vshra.s32 v6, $0x7  }
0xda: {  	v7 =	vshll.u32 v6, $0x7  }
0xdb: {  	vm14 =	vlt.s32 v5, $0x1;
	vm15 =	vne.s32 v5, v7  }
0xdc: {  	s5 =	sand.u32 $0x60, s29;
	vm0 =	vmand vm14, vm15  }
0xdd: {  	v6 =	vadd.s32 s5, v6;
	v7 =	vsel vm0, $0xFFFFFFFF, v1  }
0xde: {  	v6 =	vadd.s32 v7, v6  }
0xdf: {  	v5 =	vand.u32 $0x7F, v5;
	v6 =	vshll.u32 v6, $0x7  }
0xe0: {  	s2 =	simm.s32 $0x0;
	s5 =	sand.u32 $0x18, s29;
	v5 =	vor.u32 v5, v6  }
0xe1: {  	s1 =	sor.u32 s5, s2  }
0xe2: {  	s5 =	sand.u32 $0x70, s29;
	s1 =	sshll.u32 s1, $0x7  }
0xe3: {  	s1 =	sor.u32 s5, s1  }
0xe4: {  	s1 =	sor.u32 $0x1000, s1  }
0xe5: {  	v6 =	vor.u32 s1, v2;
	v5 =	vld.idx.msk [tilespmem:v5+s20+$0x0], $0xffff;
	_ =	sdelay $0x2  }
0xe6: {  	s31 =	simm.s32 $0x40  }
0xe7: {  	s30 =	simm.s32 $0x1;
	s2 =	simm.s32 $0x2;
	s5 =	sand.u32 $0x7C0, s31  }
.LBB2_8:
0xe8: {  	p0 =	sne.s32 s2, $0x7F;
	s1 =	sshrl.u32 s5, $0x2;
	[tilespmem:v6+s22+$0x0] =	vst.idx.msk $0xffff, v5  }
0xe9: {  	v5 =	vld [tilespmem:s1+$0xC000];
	_ =	sdelay $0x4  }
0xea: {  	v6 =	vshra.s32 v5, $0x1F  }
0xeb: {  	v6 =	vshrl.u32 v6, $0x19  }
0xec: {  	v6 =	vadd.s32 v6, v5  }
0xed: {  	v6 =	vshra.s32 v6, $0x7  }
0xee: {  	v7 =	vshll.u32 v6, $0x7  }
0xef: {  	vm0 =	vlt.s32 v5, $0x1;
	vm1 =	vne.s32 v5, v7  }
0xf0: {  	s1 =	sand.u32 $0x60, s30;
	vm0 =	vmand vm0, vm1  }
0xf1: {  	v6 =	vadd.s32 s1, v6;
	v7 =	vsel vm0, $0xFFFFFFFF, v1  }
0xf2: {  	v6 =	vadd.s32 v7, v6  }
0xf3: {  	v5 =	vand.u32 $0x7F, v5;
	v6 =	vshll.u32 v6, $0x7  }
0xf4: {  	v5 =	vor.u32 v5, v6  }
0xf5: {  	s5 =	sand.u32 $0x18, s30;
	s1 =	sshrl.u32 s30, $0x5;
	s30 =	smov.u32 s2  }
0xf6: {  	s29 =	sadd.s32 $0x10, s29;
	s1 =	sor.u32 s5, s1  }
0xf7: {  	s5 =	sand.u32 $0x70, s29;
	s1 =	sshll.u32 s1, $0x7  }
0xf8: {  	s1 =	sor.u32 s5, s1  }
0xf9: {  	s1 =	sor.u32 $0x1000, s1;
	v5 =	vld.idx.msk [tilespmem:v5+s20+$0x0], $0xffff  }
.Ltmp3:
0xfa: {  	v6 =	vor.u32 s1, v2;
	(pc) =	sbr.rel @p0 .LBB2_8-.Ltmp3, $3  }
0xfb: {  	_ =	sdelay $0x1  }
0xfc: {  	s31 =	sadd.s32 $0x40, s31  }
0xfd: {  	s2 =	sadd.s32 $0x1, s2;
	s5 =	sand.u32 $0x7C0, s31  }
0xfe: {  	_ =	sdelay $0x3  }
0xff: {  	s1 =	sshrl.u32 s5, $0x2;
	[tilespmem:v6+s22+$0x0] =	vst.idx.msk $0xffff, v5  }
0x100: {  	v5 =	vld [tilespmem:s1+$0xC000];
	_ =	sdelay $0x4  }
0x101: {  	v6 =	vshra.s32 v5, $0x1F  }
0x102: {  	v6 =	vshrl.u32 v6, $0x19  }
0x103: {  	v6 =	vadd.s32 v6, v5  }
0x104: {  	v6 =	vshra.s32 v6, $0x7  }
0x105: {  	v7 =	vshll.u32 v6, $0x7  }
0x106: {  	vm0 =	vlt.s32 v5, $0x1;
	vm1 =	vne.s32 v5, v7  }
0x107: {  	s2 =	sand.u32 $0x60, s30;
	vm0 =	vmand vm0, vm1  }
0x108: {  	v6 =	vadd.s32 s2, v6;
	v7 =	vsel vm0, $0xFFFFFFFF, v1  }
0x109: {  	v6 =	vadd.s32 v7, v6  }
0x10a: {  	v5 =	vand.u32 $0x7F, v5;
	v6 =	vshll.u32 v6, $0x7  }
0x10b: {  	s5 =	sshrl.u32 s30, $0x5;
	s2 =	sand.u32 $0x18, s30;
	v5 =	vor.u32 v5, v6  }
0x10c: {  	s1 =	sor.u32 s2, s5;
	s5 =	sadd.s32 $0x10, s29  }
0x10d: {  	s1 =	sshll.u32 s1, $0x7;
	s2 =	sand.u32 $0x70, s5  }
0x10e: {  	s1 =	sor.u32 s2, s1  }
0x10f: {  	s1 =	sor.u32 $0x1000, s1  }
0x110: {  	v6 =	vor.u32 s1, v2;
	v5 =	vld.idx.msk [tilespmem:v5+s20+$0x0], $0xffff;
	_ =	sdelay $0x4  }
0x111: {  	[tilespmem:v6+s22+$0x0] =	vst.idx.msk $0xffff, v5  }
0x112: {  	[tilespmem:s20], [sflag:$0x1] =	stream.indirect.gather [hbm4b:s0+s19], $0x80, s25, s19, $0xb8;
	[tilespmem:$0xC420] =	vst v63  }
0x113: {  	s29 =	simm.s32 $0x0;
	_ =	swait.ge [sflag:s21], $0x4000  }
0x114: {  	s2 =	sand.u32 $0x7C0, s29;
	[sflag:s21] =	ssyncset.done $0x0  }
0x115: {  	s1 =	sshrl.u32 s2, $0x2;
	[sflag:s21] =	ssyncadd.s32 $0xFFFFC000  }
0x116: {  	v5 =	vld [tilespmem:s1+$0xC000];
	_ =	sdelay $0x4  }
0x117: {  	v6 =	vshra.s32 v5, $0x1F  }
0x118: {  	v6 =	vshrl.u32 v6, $0x19  }
0x119: {  	v6 =	vadd.s32 v6, v5  }
0x11a: {  	v6 =	vshra.s32 v6, $0x7  }
0x11b: {  	v7 =	vshll.u32 v6, $0x7  }
0x11c: {  	vm14 =	vlt.s32 v5, $0x1;
	vm15 =	vne.s32 v5, v7  }
0x11d: {  	s5 =	sand.u32 $0x60, s29;
	vm0 =	vmand vm14, vm15  }
0x11e: {  	v6 =	vadd.s32 s5, v6;
	v7 =	vsel vm0, $0xFFFFFFFF, v1  }
0x11f: {  	v6 =	vadd.s32 v7, v6  }
0x120: {  	v5 =	vand.u32 $0x7F, v5;
	v6 =	vshll.u32 v6, $0x7  }
0x121: {  	s2 =	simm.s32 $0x0;
	s5 =	sand.u32 $0x18, s29;
	v5 =	vor.u32 v5, v6  }
0x122: {  	s1 =	sor.u32 s5, s2  }
0x123: {  	s5 =	sand.u32 $0x70, s29;
	s1 =	sshll.u32 s1, $0x7  }
0x124: {  	s1 =	sor.u32 s5, s1  }
0x125: {  	s1 =	sor.u32 $0x1200, s1  }
0x126: {  	v6 =	vor.u32 s1, v2;
	v5 =	vld.idx.msk [tilespmem:v5+s20+$0x0], $0xffff;
	_ =	sdelay $0x2  }
0x127: {  	s31 =	simm.s32 $0x40  }
0x128: {  	s30 =	simm.s32 $0x1;
	s2 =	simm.s32 $0x2;
	s5 =	sand.u32 $0x7C0, s31  }
.LBB2_10:
0x129: {  	p0 =	sne.s32 s2, $0x7F;
	s1 =	sshrl.u32 s5, $0x2;
	[tilespmem:v6+s22+$0x0] =	vst.idx.msk $0xffff, v5  }
0x12a: {  	v5 =	vld [tilespmem:s1+$0xC000];
	_ =	sdelay $0x4  }
0x12b: {  	v6 =	vshra.s32 v5, $0x1F  }
0x12c: {  	v6 =	vshrl.u32 v6, $0x19  }
0x12d: {  	v6 =	vadd.s32 v6, v5  }
0x12e: {  	v6 =	vshra.s32 v6, $0x7  }
0x12f: {  	v7 =	vshll.u32 v6, $0x7  }
0x130: {  	vm0 =	vlt.s32 v5, $0x1;
	vm1 =	vne.s32 v5, v7  }
0x131: {  	s1 =	sand.u32 $0x60, s30;
	vm0 =	vmand vm0, vm1  }
0x132: {  	v6 =	vadd.s32 s1, v6;
	v7 =	vsel vm0, $0xFFFFFFFF, v1  }
0x133: {  	v6 =	vadd.s32 v7, v6  }
0x134: {  	v5 =	vand.u32 $0x7F, v5;
	v6 =	vshll.u32 v6, $0x7  }
0x135: {  	v5 =	vor.u32 v5, v6  }
0x136: {  	s5 =	sand.u32 $0x18, s30;
	s1 =	sshrl.u32 s30, $0x5;
	s30 =	smov.u32 s2  }
0x137: {  	s29 =	sadd.s32 $0x10, s29;
	s1 =	sor.u32 s5, s1  }
0x138: {  	s5 =	sand.u32 $0x70, s29;
	s1 =	sshll.u32 s1, $0x7  }
0x139: {  	s1 =	sor.u32 s5, s1  }
0x13a: {  	s1 =	sor.u32 $0x1200, s1;
	v5 =	vld.idx.msk [tilespmem:v5+s20+$0x0], $0xffff  }
.Ltmp4:
0x13b: {  	v6 =	vor.u32 s1, v2;
	(pc) =	sbr.rel @p0 .LBB2_10-.Ltmp4, $3  }
0x13c: {  	_ =	sdelay $0x1  }
0x13d: {  	s31 =	sadd.s32 $0x40, s31  }
0x13e: {  	s2 =	sadd.s32 $0x1, s2;
	s5 =	sand.u32 $0x7C0, s31  }
0x13f: {  	_ =	sdelay $0x3  }
0x140: {  	s1 =	sshrl.u32 s5, $0x2;
	[tilespmem:v6+s22+$0x0] =	vst.idx.msk $0xffff, v5  }
0x141: {  	v5 =	vld [tilespmem:s1+$0xC000];
	_ =	sdelay $0x4  }
0x142: {  	v6 =	vshra.s32 v5, $0x1F  }
0x143: {  	v6 =	vshrl.u32 v6, $0x19  }
0x144: {  	v6 =	vadd.s32 v6, v5  }
0x145: {  	v6 =	vshra.s32 v6, $0x7  }
0x146: {  	v7 =	vshll.u32 v6, $0x7  }
0x147: {  	vm0 =	vlt.s32 v5, $0x1;
	vm1 =	vne.s32 v5, v7  }
0x148: {  	s5 =	sand.u32 $0x60, s30;
	vm0 =	vmand vm0, vm1  }
0x149: {  	v6 =	vadd.s32 s5, v6;
	v7 =	vsel vm0, $0xFFFFFFFF, v1  }
0x14a: {  	v6 =	vadd.s32 v7, v6  }
0x14b: {  	v5 =	vand.u32 $0x7F, v5;
	v6 =	vshll.u32 v6, $0x7  }
0x14c: {  	s31 =	sshrl.u32 s30, $0x5;
	s2 =	sand.u32 $0x18, s30;
	v5 =	vor.u32 v5, v6  }
0x14d: {  	s1 =	sor.u32 s2, s31;
	s5 =	sadd.s32 $0x10, s29  }
0x14e: {  	s1 =	sshll.u32 s1, $0x7;
	s2 =	sand.u32 $0x70, s5  }
0x14f: {  	s1 =	sor.u32 s2, s1  }
0x150: {  	s1 =	sor.u32 $0x1200, s1  }
0x151: {  	v6 =	vor.u32 s1, v2;
	v5 =	vld.idx.msk [tilespmem:v5+s20+$0x0], $0xffff;
	_ =	sdelay $0x2  }
0x152: {  	s31 =	simm.s32 $0x0;
	s2 =	simm.s32 $0x0  }
0x153: {  	s29 =	sand.u32 $0x70, s2;
	s1 =	sand.u32 $0xFFFFFF80, s31  }
0x154: {  	s1 =	sor.u32 s29, s1;
	[tilespmem:v6+s22+$0x0] =	vst.idx.msk $0xffff, v5  }
0x155: {  	[hbm4b:s8+s2] =	stream.linear.scatter [tilespmem:s22], [sflag:$0x2], $0x2000, $0x38;
	[tilespmem:$0xC420] =	vst v63  }
0x156: {  	v5 =	vor.u32 s1, v2;
	_ =	swait.ge [sflag:s13], $0x2000  }
0x157: {  	[sflag:s13] =	ssyncset.done $0x0  }
0x158: {  	s30 =	simm.s32 $0x10;
	s5 =	simm.s32 $0x1;
	[sflag:s13] =	ssyncadd.s32 $0xFFFFE000  }
.LBB2_12:
0x159: {  	s1 =	sand.u32 $0x70, s30;
	s31 =	sshll.u32 s5, $0x4;
	p0 =	sne.s32 s5, $0x1FF  }
.Ltmp5:
0x15a: {  	s5 =	sadd.s32 $0x1, s5;
	s31 =	sand.u32 $0xFFFFFF80, s31;
	(pc) =	sbr.rel @p0 .LBB2_12-.Ltmp5, $3  }
0x15b: {  	s1 =	sor.u32 s1, s31;
	[tilespmem:v5+s2+$0x0] =	vst.idx.msk $0xffff, v3  }
0x15c: {  	[tilespmem:v5+s26+$0x0] =	vst.idx.msk $0xffff, v3;
	v5 =	vor.u32 s1, v2;
	_ =	sdelay $0x1  }
0x15d: {  	s30 =	sadd.s32 $0x10, s30  }
0x15e: {  	_ =	sdelay $0x3  }
0x15f: {  	[tilespmem:v5+s2+$0x0] =	vst.idx.msk $0xffff, v3;
	s1 =	sand.u32 $0xF00, s2  }
0x160: {  	[tilespmem:v5+s26+$0x0] =	vst.idx.msk $0xffff, v3;
	s1 =	sor.u32 s29, s1  }
0x161: {  	v5 =	vld [tilespmem:s1+$0x4000];
	_ =	sdelay $0x1  }
0x162: {  	v6 =	vld [tilespmem:s1+$0x4080];
	_ =	sdelay $0x2  }
0x163: {  	v5 =	vsub.s32 v5, v0  }
0x164: {  	vm0 =	vlt.u32 v5, $0x10  }
0x165: {  	v5 =	vnsel vm0, $0x0, v5;
	v6 =	vnsel vm0, $0x0, v6  }
0x166: {  	v7 =	vshra.s32 v5, $0x1F;
	v8 =	vshra.s32 v6, $0x1F  }
0x167: {  	v7 =	vshrl.u32 v7, $0x1D;
	v8 =	vshrl.u32 v8, $0x19  }
0x168: {  	v7 =	vadd.s32 v7, v5;
	v8 =	vadd.s32 v8, v6  }
0x169: {  	v7 =	vshra.s32 v7, $0x3;
	v8 =	vshra.s32 v8, $0x7  }
0x16a: {  	vm1 =	vlt.s32 v5, $0x1;
	v9 =	vshll.u32 v7, $0x3;
	v10 =	vshll.u32 v8, $0x7  }
0x16b: {  	vm3 =	vlt.s32 v6, $0x1;
	vm2 =	vne.s32 v5, v9;
	vm4 =	vne.s32 v6, v10  }
0x16c: {  	vm1 =	vmand vm1, vm2;
	vm2 =	vmand vm3, vm4  }
0x16d: {  	v62 =	vsel vm1, $0xFFFFFFFF, v1;
	v63 =	vsel vm2, $0xFFFFFFFF, v1  }
0x16e: {  	v7 =	vadd.s32 v62, v7;
	v8 =	vadd.s32 v63, v8  }
0x16f: {  	v7 =	vshll.u32 v7, $0x5;
	v8 =	vshll.u32 v8, $0x3  }
0x170: {  	v5 =	vand.u32 $0x7, v5;
	v7 =	vadd.s32 v8, v7  }
0x171: {  	v5 =	vor.u32 v5, v7  }
0x172: {  	v6 =	vand.u32 $0x7F, v6;
	v5 =	vshll.u32 v5, $0x7  }
0x173: {  	v5 =	vor.u32 v6, v5;
	_ =	sdelay $0x2  }
0x174: {  	s5 =	simm.s32 $0x20;
	s30 =	simm.s32 $0x10;
	s31 =	simm.s32 $0x40  }
0x175: {  	s29 =	simm.s32 $0x0;
	s2 =	sand.u32 $0x70, s30;
	s5 =	sand.u32 $0xF00, s5  }
.LBB2_14:
0x176: {  	p0 =	sne.s32 s31, $0xFE0;
	s1 =	sor.u32 s2, s5;
	[tilespmem:v5+s29+$0x0] =	vst.idx.msk vm0, v4  }
0x177: {  	v5 =	vld [tilespmem:s1+$0x4000];
	_ =	sdelay $0x1  }
0x178: {  	v6 =	vld [tilespmem:s1+$0x4080];
	_ =	sdelay $0x2  }
0x179: {  	v5 =	vsub.s32 v5, v0  }
0x17a: {  	vm0 =	vlt.u32 v5, $0x10  }
0x17b: {  	v5 =	vnsel vm0, $0x0, v5;
	v6 =	vnsel vm0, $0x0, v6  }
0x17c: {  	v7 =	vshra.s32 v5, $0x1F;
	v8 =	vshra.s32 v6, $0x1F  }
0x17d: {  	v7 =	vshrl.u32 v7, $0x1D;
	v8 =	vshrl.u32 v8, $0x19  }
0x17e: {  	v7 =	vadd.s32 v7, v5;
	v8 =	vadd.s32 v8, v6  }
0x17f: {  	v7 =	vshra.s32 v7, $0x3;
	v8 =	vshra.s32 v8, $0x7  }
0x180: {  	vm1 =	vlt.s32 v5, $0x1;
	v9 =	vshll.u32 v7, $0x3;
	v10 =	vshll.u32 v8, $0x7  }
0x181: {  	vm3 =	vlt.s32 v6, $0x1;
	vm2 =	vne.s32 v5, v9;
	vm4 =	vne.s32 v6, v10  }
0x182: {  	vm1 =	vmand vm1, vm2;
	vm2 =	vmand vm3, vm4  }
0x183: {  	v9 =	vsel vm1, $0xFFFFFFFF, v1;
	v10 =	vsel vm2, $0xFFFFFFFF, v1  }
0x184: {  	v7 =	vadd.s32 v9, v7;
	v8 =	vadd.s32 v10, v8  }
0x185: {  	v7 =	vshll.u32 v7, $0x5;
	v8 =	vshll.u32 v8, $0x3  }
0x186: {  	v5 =	vand.u32 $0x7, v5;
	v7 =	vadd.s32 v8, v7  }
0x187: {  	v5 =	vor.u32 v5, v7  }
0x188: {  	v6 =	vand.u32 $0x7F, v6;
	v5 =	vshll.u32 v5, $0x7  }
.Ltmp6:
0x189: {  	v5 =	vor.u32 v6, v5;
	(pc) =	sbr.rel @p0 .LBB2_14-.Ltmp6, $3  }
0x18a: {  	_ =	sdelay $0x1  }
0x18b: {  	s30 =	sadd.s32 $0x10, s30  }
0x18c: {  	s5 =	sand.u32 $0xF00, s31;
	s31 =	sadd.s32 $0x20, s31;
	s2 =	sand.u32 $0x70, s30  }
0x18d: {  	_ =	sdelay $0x4  }
0x18e: {  	s1 =	sor.u32 s2, s5;
	[tilespmem:v5+s29+$0x0] =	vst.idx.msk vm0, v4  }
0x18f: {  	v5 =	vld [tilespmem:s1+$0x4000];
	_ =	sdelay $0x1  }
0x190: {  	v6 =	vld [tilespmem:s1+$0x4080];
	_ =	sdelay $0x2  }
0x191: {  	v5 =	vsub.s32 v5, v0  }
0x192: {  	vm14 =	vlt.u32 v5, $0x10  }
0x193: {  	v5 =	vnsel vm14, $0x0, v5;
	v6 =	vnsel vm14, $0x0, v6  }
0x194: {  	v7 =	vshra.s32 v5, $0x1F;
	v8 =	vshra.s32 v6, $0x1F  }
0x195: {  	v7 =	vshrl.u32 v7, $0x1D;
	v8 =	vshrl.u32 v8, $0x19  }
0x196: {  	v7 =	vadd.s32 v7, v5;
	v8 =	vadd.s32 v8, v6  }
0x197: {  	v7 =	vshra.s32 v7, $0x3;
	v8 =	vshra.s32 v8, $0x7  }
0x198: {  	vm1 =	vlt.s32 v5, $0x1;
	v9 =	vshll.u32 v7, $0x3;
	v10 =	vshll.u32 v8, $0x7  }
0x199: {  	vm3 =	vlt.s32 v6, $0x1;
	vm2 =	vne.s32 v5, v9;
	vm4 =	vne.s32 v6, v10  }
0x19a: {  	vm1 =	vmand vm1, vm2;
	vm15 =	vmand vm3, vm4  }
0x19b: {  	v62 =	vsel vm1, $0xFFFFFFFF, v1;
	v63 =	vsel vm15, $0xFFFFFFFF, v1  }
0x19c: {  	v7 =	vadd.s32 v62, v7;
	v8 =	vadd.s32 v63, v8  }
0x19d: {  	v7 =	vshll.u32 v7, $0x5;
	v8 =	vshll.u32 v8, $0x3  }
0x19e: {  	v5 =	vand.u32 $0x7, v5;
	v7 =	vadd.s32 v8, v7  }
0x19f: {  	v5 =	vor.u32 v5, v7  }
0x1a0: {  	v6 =	vand.u32 $0x7F, v6;
	v5 =	vshll.u32 v5, $0x7  }
0x1a1: {  	p1 =	por $0x1, $0x1;
	v5 =	vor.u32 v6, v5  }
.Ltmp7:
0x1a2: {  	_ = 	snop;
	(pc) =	sbr.rel @!p1 .LBB2_16-.Ltmp7, $3  }
0x1a3: {  	_ =	sdelay $0x1  }
0x1a4: {  	s30 =	simm.s32 $0x0;
	s2 =	simm.s32 $0x20  }
0x1a5: {  	p0 =	por $0x0, $0x0;
	s31 =	sand.u32 $0x70, s30;
	s5 =	sand.u32 $0xF00, s30;
	[tilespmem:v5+s30+$0x0] =	vst.idx.msk vm14, v4  }
0x1a6: {  	s1 =	sor.u32 s31, s5  }
0x1a7: {  	v5 =	vld [tilespmem:s1+$0x5000];
	_ =	sdelay $0x1  }
0x1a8: {  	v6 =	vld [tilespmem:s1+$0x5080];
	_ =	sdelay $0x2  }
0x1a9: {  	v5 =	vsub.s32 v5, v0  }
0x1aa: {  	vm0 =	vlt.u32 v5, $0x10  }
0x1ab: {  	v5 =	vnsel vm0, $0x0, v5;
	v6 =	vnsel vm0, $0x0, v6  }
0x1ac: {  	v7 =	vshra.s32 v5, $0x1F;
	v8 =	vshra.s32 v6, $0x1F  }
0x1ad: {  	v7 =	vshrl.u32 v7, $0x1D;
	v8 =	vshrl.u32 v8, $0x19  }
0x1ae: {  	v7 =	vadd.s32 v7, v5;
	v8 =	vadd.s32 v8, v6  }
0x1af: {  	v7 =	vshra.s32 v7, $0x3;
	v8 =	vshra.s32 v8, $0x7  }
0x1b0: {  	vm1 =	vlt.s32 v5, $0x1;
	v9 =	vshll.u32 v7, $0x3;
	v10 =	vshll.u32 v8, $0x7  }
0x1b1: {  	vm3 =	vlt.s32 v6, $0x1;
	vm2 =	vne.s32 v5, v9;
	vm4 =	vne.s32 v6, v10  }
0x1b2: {  	vm1 =	vmand vm1, vm2;
	vm2 =	vmand vm3, vm4  }
0x1b3: {  	v62 =	vsel vm1, $0xFFFFFFFF, v1;
	v63 =	vsel vm2, $0xFFFFFFFF, v1  }
0x1b4: {  	v7 =	vadd.s32 v62, v7;
	v8 =	vadd.s32 v63, v8  }
0x1b5: {  	v7 =	vshll.u32 v7, $0x5;
	v8 =	vshll.u32 v8, $0x3  }
0x1b6: {  	v5 =	vand.u32 $0x7, v5;
	v7 =	vadd.s32 v8, v7  }
0x1b7: {  	v5 =	vor.u32 v5, v7  }
0x1b8: {  	p1 =	por $0x1, $0x1;
	v6 =	vand.u32 $0x7F, v6;
	v5 =	vshll.u32 v5, $0x7  }
.Ltmp8:
0x1b9: {  	v5 =	vor.u32 v6, v5;
	(pc) =	sbr.rel @!p1 .LBB2_19-.Ltmp8, $3  }
0x1ba: {  	_ =	sdelay $0x1  }
0x1bb: {  	s29 =	simm.s32 $0x10;
	s5 =	sand.u32 $0xF00, s2  }
0x1bc: {  	s30 =	simm.s32 $0x40;
	p0 =	por $0x1, $0x1;
	s31 =	sand.u32 $0x70, s29  }
.LBB2_18:
0x1bd: {  	p1 =	sne.s32 s30, $0xFE0;
	s1 =	sor.u32 s31, s5;
	[tilespmem:v5+s26+$0x0] =	vst.idx.msk vm0, v4  }
0x1be: {  	v5 =	vld [tilespmem:s1+$0x5000];
	_ =	sdelay $0x1  }
0x1bf: {  	v6 =	vld [tilespmem:s1+$0x5080];
	_ =	sdelay $0x2  }
0x1c0: {  	v5 =	vsub.s32 v5, v0  }
0x1c1: {  	vm0 =	vlt.u32 v5, $0x10  }
0x1c2: {  	v5 =	vnsel vm0, $0x0, v5;
	v6 =	vnsel vm0, $0x0, v6  }
0x1c3: {  	v7 =	vshra.s32 v5, $0x1F;
	v8 =	vshra.s32 v6, $0x1F  }
0x1c4: {  	v7 =	vshrl.u32 v7, $0x1D;
	v8 =	vshrl.u32 v8, $0x19  }
0x1c5: {  	v7 =	vadd.s32 v7, v5;
	v8 =	vadd.s32 v8, v6  }
0x1c6: {  	v7 =	vshra.s32 v7, $0x3;
	v8 =	vshra.s32 v8, $0x7  }
0x1c7: {  	vm1 =	vlt.s32 v5, $0x1;
	v9 =	vshll.u32 v7, $0x3;
	v10 =	vshll.u32 v8, $0x7  }
0x1c8: {  	vm3 =	vlt.s32 v6, $0x1;
	vm2 =	vne.s32 v5, v9;
	vm4 =	vne.s32 v6, v10  }
0x1c9: {  	vm1 =	vmand vm1, vm2;
	vm2 =	vmand vm3, vm4  }
0x1ca: {  	v9 =	vsel vm1, $0xFFFFFFFF, v1;
	v10 =	vsel vm2, $0xFFFFFFFF, v1  }
0x1cb: {  	v7 =	vadd.s32 v9, v7;
	v8 =	vadd.s32 v10, v8  }
0x1cc: {  	v7 =	vshll.u32 v7, $0x5;
	v8 =	vshll.u32 v8, $0x3  }
0x1cd: {  	v5 =	vand.u32 $0x7, v5;
	v7 =	vadd.s32 v8, v7  }
0x1ce: {  	v5 =	vor.u32 v5, v7  }
0x1cf: {  	v6 =	vand.u32 $0x7F, v6;
	v5 =	vshll.u32 v5, $0x7  }
.Ltmp9:
0x1d0: {  	v5 =	vor.u32 v6, v5;
	(pc) =	sbr.rel @p1 .LBB2_18-.Ltmp9, $3  }
0x1d1: {  	_ =	sdelay $0x1  }
0x1d2: {  	s29 =	sadd.s32 $0x10, s29  }
0x1d3: {  	s5 =	sand.u32 $0xF00, s30;
	s30 =	sadd.s32 $0x20, s30;
	s31 =	sand.u32 $0x70, s29  }
.LBB2_19:
0x1d4: {  	_ =	sdelay $0x4  }
0x1d5: {  	s1 =	sor.u32 s31, s5;
	[tilespmem:v5+s26+$0x0] =	vst.idx.msk @p0 vm0, v4  }
0x1d6: {  	v5 =	vld [tilespmem:s1+$0x5000];
	_ =	sdelay $0x1  }
0x1d7: {  	v6 =	vld [tilespmem:s1+$0x5080];
	_ =	sdelay $0x2  }
0x1d8: {  	v5 =	vsub.s32 v5, v0  }
0x1d9: {  	vm14 =	vlt.u32 v5, $0x10  }
0x1da: {  	v5 =	vnsel vm14, $0x0, v5;
	v6 =	vnsel vm14, $0x0, v6  }
0x1db: {  	v7 =	vshra.s32 v5, $0x1F;
	v8 =	vshra.s32 v6, $0x1F  }
0x1dc: {  	v7 =	vshrl.u32 v7, $0x1D;
	v8 =	vshrl.u32 v8, $0x19  }
0x1dd: {  	v7 =	vadd.s32 v7, v5;
	v8 =	vadd.s32 v8, v6  }
0x1de: {  	v7 =	vshra.s32 v7, $0x3;
	v8 =	vshra.s32 v8, $0x7  }
0x1df: {  	vm1 =	vlt.s32 v5, $0x1;
	v9 =	vshll.u32 v7, $0x3;
	v10 =	vshll.u32 v8, $0x7  }
0x1e0: {  	vm3 =	vlt.s32 v6, $0x1;
	vm2 =	vne.s32 v5, v9;
	vm4 =	vne.s32 v6, v10  }
0x1e1: {  	vm1 =	vmand vm1, vm2;
	vm15 =	vmand vm3, vm4  }
0x1e2: {  	v62 =	vsel vm1, $0xFFFFFFFF, v1;
	v63 =	vsel vm15, $0xFFFFFFFF, v1  }
0x1e3: {  	v7 =	vadd.s32 v62, v7;
	v8 =	vadd.s32 v63, v8  }
0x1e4: {  	v7 =	vshll.u32 v7, $0x5;
	v8 =	vshll.u32 v8, $0x3  }
0x1e5: {  	v5 =	vand.u32 $0x7, v5;
	v7 =	vadd.s32 v8, v7  }
0x1e6: {  	v5 =	vor.u32 v5, v7  }
0x1e7: {  	v6 =	vand.u32 $0x7F, v6;
	v5 =	vshll.u32 v5, $0x7  }
0x1e8: {  	v5 =	vor.u32 v6, v5;
	_ =	sdelay $0x4  }
0x1e9: {  	[tilespmem:v5+s26+$0x0] =	vst.idx.msk vm14, v4  }
0x1ea: {  	[hbm4b:s9+s6] =	stream.linear.scatter [tilespmem:s6], [sflag:$0x2], $0x2000, $0x38;
	[tilespmem:$0xC420] =	vst v63  }
0x1eb: {  	_ =	swait.ge [sflag:s13], $0x2000  }
0x1ec: {  	s28 =	sadd.s32 $0x1, s28;
	[sflag:s13] =	ssyncset.done $0x0  }
0x1ed: {  	p0 =	sne.s32 s28, s11;
	[sflag:s13] =	ssyncadd.s32 $0xFFFFE000  }
0x1ee: {  	[hbm4b:s10+s6] =	stream.linear.scatter [tilespmem:s26], [sflag:$0x2], $0x2000, $0x38;
	[tilespmem:$0xC420] =	vst v63  }
.Ltmp10:
0x1ef: {  	_ = 	snop;
	(pc) =	sbr.rel @p0 .LBB2_1-.Ltmp10, $4  }
.Ltmp11:
0x1f0: {  	_ = 	snop;
	(pc) =	sbr.rel @!p0 .LBB2_20-.Ltmp11, $4  }
0x1f1: {  	_ =	swait.ge [sflag:s13], $0x2000  }
0x1f2: {  	[sflag:s13] =	ssyncset.done $0x0  }
0x1f3: {  	[sflag:s13] =	ssyncadd.s32 $0xFFFFE000  }
0x1f4: {  	_ = 	snop  }
.LBB2_16:
.Ltmp12:
0x1f5: {  	(pc) =	sbr.rel .LBB2_19-.Ltmp12, $2  }
0x1f6: {  	_ =	sdelay $0x2  }
0x1f7: {  	_ = 	snop  }
.LBB2_20:
0x1f8: {  	_ =	sfence.sel $0x180000  }
0x1f9: {  	[bflag:$0x0] =	sbarrier.arrive $0xFFFF  }
0x1fa: {  	_ =	strace $0x90000047  }
0x1fb: {  	s0 =	stileid.u32;
	[bflag:$0x2] =	sbarrier.arrive $0xFFFF  }
0x1fc: {  	p0 =	sne.s32 s0, $0x0;
	s0 =	rddreg [dreg:$0x8]  }
0x1fd: {  	s0 =	sadd.s32 @!p0 $0x100000, s0  }
0x1fe: {  	[sflag:s0] =	ssyncadd.tile.s32 @!p0 $0x1;
	_ =	shalt  }
.Lfunc_end2:
_tile_overlayer_lowered:
.L_overlay_start_2:
0x1ff: {  	(tag) =	ssettag $0x2  }
0x200: {  	s0 =	rddreg [dreg:$0x0];
	s2 =	stileid.u32  }
0x201: {  	s1 =	rddreg [dreg:$0x1];
	p0 =	sne.s32 s2, $0x0  }
0x202: {  	s3 =	rddreg [dreg:$0x2];
	[bflag:$0x3] =	sbarrier.arrive $0xFFFF;
	s2 =	simm.s32 @!p0 $0x1C02  }
0x203: {  	[timem:s3], [sflag:s2] =	dma.local @!p0 [hbm:s0], s1  }
0x204: {  	s0 =	simm.s32 @!p0 $0x2  }
0x205: {  	_ =	swait.ge @!p0 [sflag:s0], s1  }
0x206: {  	s1 =	ssub.s32 @!p0 $0x0, s1;
	[sflag:s0] =	ssyncset.done @!p0 $0x0  }
0x207: {  	[sflag:s0] =	ssyncadd.s32 @!p0 s1  }
0x208: {  	[bflag:$0x3] =	sbarrier.arrive $0xFFFF  }
0x209: {  	_ =	shalt  }

</sc_bundles>
